<compile_context>
chip_gen: v7x
topology: tpu7x:2x2x1
jax: 0.10.2.dev20260603
libtpu: 0.0.44.dev20260713+nightly
codegen_flags: <defaults>
</compile_context>

<pallas_src>
import functools
import numpy as np
import jax
import jax.numpy as jnp
from jax import lax
from jax.experimental import pallas as pl
from jax.experimental.pallas import tpu as pltpu
from jax.experimental.pallas import tpu_sc as plsc

_N_ATOMS = 5000
_N_GRID = 48
_GRID = 0.5
_VDW = np.array([1.7, 1.55, 1.52, 1.8, 1.95, 1.8, 1.4, 1.7], dtype=np.float32)
_NPAD = 5008
_NF = 13
_SLAB = 12
_L = 16
_YS = _N_GRID
_XS = _N_GRID * _N_GRID
_GSZ = _SLAB * _XS
_WLSZ = _NPAD + 2 * _L


def _splat_f32(bits_scalar):
    return plsc.bitcast(jnp.full((_L,), bits_scalar, dtype=jnp.int32),
                        jnp.float32)


def _sc_body(atoms_hbm, out_hbm, atoms_v, grid_v, wl_v, dxb_v, fyb_v):
    cid = lax.axis_index("c")
    sid = lax.axis_index("s")
    wid = sid * 2 + cid
    ch = wid // 4
    slab = wid % 4
    lo = slab * _SLAB
    hi = lo + _SLAB

    pltpu.sync_copy(atoms_hbm, atoms_v)

    zero = jnp.zeros((_L,), jnp.float32)

    @plsc.parallel_loop(0, _GSZ, step=_L, unroll=8)
    def zbody(k):
        grid_v[pl.ds(k, _L)] = zero

    iota = lax.broadcasted_iota(jnp.int32, (_L,), 0)

    def sbody(g, cnt):
        s = g * _L
        t = atoms_v[pl.ds(s, _L)]
        mnx = atoms_v[pl.ds(1 * _NPAD + s, _L)]
        mxx = atoms_v[pl.ds(2 * _NPAD + s, _L)]
        m = ((t == ch) & (mnx < hi)) & (mxx > lo)
        pos_inc = plsc.cumsum(m.astype(jnp.int32))
        pos = jnp.where(m, cnt + pos_inc - 1, jnp.int32(_NPAD + _L))
        plsc.store_scatter(wl_v, [pos], s + iota)
        return cnt + pos_inc[_L - 1]

    cnt = lax.fori_loop(0, _NPAD // _L, sbody, jnp.int32(0))

    three_over_e = jnp.full((_L,), 3.0 / np.e, dtype=jnp.float32)
    magic = jnp.int32(0x5F3759DF)

    def abody(j, carry):
        ai = wl_v[pl.ds(j, _L)][0]
        fv = plsc.load_gather(
            atoms_v, [jnp.minimum(iota, _NF - 1) * _NPAD + ai])
        mnx = fv[1]
        mxx = fv[2]
        mny = fv[3]
        mxy = fv[4]
        mnz = fv[5]
        mxz = fv[6]
        cxv = _splat_f32(fv[7])
        cyv = _splat_f32(fv[8])
        czv = _splat_f32(fv[9])
        r2v = _splat_f32(fv[10])
        c1v = _splat_f32(fv[11])
        a2v = _splat_f32(fv[12])
        r2q = r2v * 2.25

        zb = jnp.minimum(mnz, _N_GRID - _L)
        izv = zb + iota
        zm = (izv >= mnz) & (izv < mxz)
        fzv = izv.astype(jnp.float32) * _GRID - czv
        dz2 = jnp.where(zm, fzv * fzv, 1e9)

        x0 = jnp.maximum(mnx, lo)
        x1 = jnp.minimum(mxx, hi)
        nx = x1 - x0
        yb = jnp.minimum(mny, _N_GRID - 14)

        @plsc.parallel_loop(0, 14, unroll=2)
        def pybody(u):
            iy = yb + u
            yok = (iy >= mny) & (iy < mxy)
            fyv = (jnp.full((_L,), iy).astype(jnp.float32) * _GRID
                   - cyv)
            fyb_v[pl.ds(u * _L, _L)] = jnp.where(
                jnp.full((_L,), yok), fyv * fyv, 1e9)

        base = (x0 - lo) * _XS + yb * _YS + zb

        def xrow(t, carry_x):
            fxv = (jnp.full((_L,), x0 + t).astype(jnp.float32) * _GRID
                   - cxv)
            dx2 = fxv * fxv + dz2
            baset = base + t * _XS

            @plsc.parallel_loop(0, 14, unroll=14)
            def rbody(u):
                d2 = dx2 + fyb_v[pl.ds(u * _L, _L)]
                uu = plsc.bitcast(d2, jnp.int32)
                yv = plsc.bitcast(magic - lax.shift_right_logical(uu, 1),
                                  jnp.float32)
                yv = yv * (1.5 - 0.5 * d2 * yv * yv)
                d = d2 * yv
                f1 = jnp.exp(c1v * d2)
                t2 = a2v * d - three_over_e
                f2 = t2 * t2
                val = jnp.where(d2 < r2v, f1,
                                jnp.where(d2 < r2q, f2, zero))
                plsc.addupdate(
                    grid_v.at[pl.ds(baset + u * _YS, _L)], val)

            return carry_x

        lax.fori_loop(0, nx, xrow, 0)
        return carry

    lax.fori_loop(0, cnt, abody, 0)

    pltpu.sync_copy(grid_v, out_hbm.at[ch, slab])


def kernel(coords, atom_types):
    r = jnp.asarray(_VDW)[atom_types]
    b = 1.5 * r
    minf = (coords - b[:, None]) / _GRID
    maxf = 2.0 + (coords + b[:, None]) / _GRID
    minp = jnp.clip(jnp.trunc(minf).astype(jnp.int32), 0, _N_GRID)
    maxp = jnp.clip(jnp.trunc(maxf).astype(jnp.int32), 0, _N_GRID)
    r2 = r * r
    c1 = -2.0 / r2
    a2 = 2.0 / (float(np.e) * r)

    pad = _NPAD - _N_ATOMS
    zpad_i = jnp.zeros((pad,), jnp.int32)

    def fbits(x):
        return jnp.concatenate(
            [lax.bitcast_convert_type(x, jnp.int32), zpad_i])

    def ipad(x):
        return jnp.concatenate([x, zpad_i])

    atoms = jnp.concatenate([
        jnp.concatenate([atom_types.astype(jnp.int32),
                         jnp.full((pad,), -1, jnp.int32)]),
        ipad(minp[:, 0]), ipad(maxp[:, 0]),
        ipad(minp[:, 1]), ipad(maxp[:, 1]),
        ipad(minp[:, 2]), ipad(maxp[:, 2]),
        fbits(coords[:, 0]), fbits(coords[:, 1]), fbits(coords[:, 2]),
        fbits(r2), fbits(c1), fbits(a2),
    ])

    mesh = plsc.VectorSubcoreMesh(core_axis_name="c", subcore_axis_name="s")
    f = functools.partial(
        pl.kernel,
        out_type=jax.ShapeDtypeStruct((8, 4, _GSZ), jnp.float32),
        mesh=mesh,
        scratch_types=[
            pltpu.VMEM((_NF * _NPAD,), jnp.int32),
            pltpu.VMEM((_GSZ,), jnp.float32),
            pltpu.VMEM((_WLSZ,), jnp.int32),
            pltpu.VMEM(((_SLAB + 2) * _L,), jnp.float32),
            pltpu.VMEM((_L * _L,), jnp.float32),
        ],
        compiler_params=pltpu.CompilerParams(needs_layout_passes=False),
    )(_sc_body)
    res = f(atoms)
    return res.reshape(8, 4, _SLAB, _N_GRID, _N_GRID).reshape(
        8, _N_GRID, _N_GRID, _N_GRID)

# --- scband reference (transcript-rebuilt; emitter-appended) ---
"""Pipeline reference for scband-model-pro-14817637171533 (READ-ONLY COPY).

The authoritative reference and input builder live on the scoring server;
editing this copy changes nothing except your own understanding.
"""

import jax, jax.numpy as jnp
import numpy as np

N_ATOMS = 5000
N_GRID = 48
GRID = 0.5
W = 14  # max bbox extent in cells: 2*1.5*vdw_max/grid + 2 + trunc slack = 13.7 -> 14
VDW = jnp.array([1.7, 1.55, 1.52, 1.8, 1.95, 1.8, 1.4, 1.7], dtype=jnp.float32)


def setup_inputs(seed: int = 0) -> dict:
    key = jax.random.key(seed)
    k1, k2 = jax.random.split(key)
    coords = jax.random.uniform(k1, (N_ATOMS, 3), dtype=jnp.float32) * (N_GRID * GRID)
    atom_types = jax.random.randint(k2, (N_ATOMS,), 0, 8, dtype=jnp.int32)
    return {"coords": coords, "atom_types": atom_types}


def reference(coords, atom_types):
    grid = GRID
    n_grid = N_GRID
    e2 = float(np.exp(2))
    r = VDW[atom_types]                      # [N] per-atom vdw radius
    b = 1.5 * r                              # bbox half-size, as in original
    min_pt_f = (coords - b[:, None]) / grid
    max_pt_f = 2.0 + (coords + b[:, None]) / grid
    # python int() truncates toward zero -> jnp.trunc; then clamp to [0, n_grid]
    min_pt = jnp.clip(jnp.trunc(jax.lax.stop_gradient(min_pt_f)).astype(jnp.int32), 0, n_grid)
    max_pt = jnp.clip(jnp.trunc(jax.lax.stop_gradient(max_pt_f)).astype(jnp.int32), 0, n_grid)
    # fixed-size local window per atom (vectorized form of the per-atom bbox loop)
    ar = jnp.arange(W, dtype=jnp.int32)
    ox, oy, oz = jnp.meshgrid(ar, ar, ar, indexing="ij")
    off = jnp.stack([ox.reshape(-1), oy.reshape(-1), oz.reshape(-1)], axis=-1)  # [W^3, 3]
    idx = min_pt[:, None, :] + off[None, :, :]            # [N, W^3, 3]
    valid = jnp.all(idx < max_pt[:, None, :], axis=-1)    # [N, W^3]
    pos = grid * idx.astype(jnp.float32)                  # xv, yv, zv
    diff = coords[:, None, :] - pos
    d2 = jnp.sum(diff * diff, axis=-1)
    d = jnp.sqrt(d2 + 1e-12)
    rr = r[:, None]
    r2 = rr * rr
    f1 = jnp.exp(-2.0 * d2 / r2)
    f2 = 4.0 * d2 / (e2 * r2) - 12.0 * d / (e2 * rr) + 9.0 / e2
    mask = jnp.where(d < rr, f1, jnp.where(d < 1.5 * rr, f2, 0.0))
    vals = jnp.where(valid, mask, 0.0)
    idx_c = jnp.clip(idx, 0, n_grid - 1)
    ch = atom_types.astype(jnp.int32)[:, None]
    flat_idx = (ch * (n_grid ** 3)
                + idx_c[..., 0] * (n_grid * n_grid)
                + idx_c[..., 1] * n_grid
                + idx_c[..., 2])
    out = jnp.zeros((8 * n_grid ** 3,), dtype=jnp.float32)
    out = out.at[flat_idx.reshape(-1)].add(vals.reshape(-1))
    return out.reshape(8, n_grid, n_grid, n_grid)

if __name__ == "__main__":
    import jax
    _d = setup_inputs()
    print(jax.jit(kernel)(*tuple(_d.values())))

</pallas_src>

<mosaic_0001>
#map = affine_map<(d0, d1) -> (0)>
#map1 = affine_map<(d0, d1) -> (0, 0, 0)>
module attributes {stable_mosaic.version = 14 : i64} {
  func.func @_sc_body(%arg0: i32, %arg1: i32, %arg2: memref<65104xi32, #tpu.memory_space<hbm>>, %arg3: memref<8x4x27648xf32, #tpu.memory_space<hbm>>, %arg4: memref<65104xi32, #tpu.memory_space<vmem>>, %arg5: memref<27648xf32, #tpu.memory_space<vmem>>, %arg6: memref<5040xi32, #tpu.memory_space<vmem>>, %arg7: memref<224xf32, #tpu.memory_space<vmem>>, %arg8: memref<256xf32, #tpu.memory_space<vmem>>) attributes {dimension_semantics = [#tpu.dimension_semantics<core_parallel>, #tpu.dimension_semantics<subcore_parallel>], iteration_bounds = array<i64: 2, 16>, scalar_prefetch = 0 : i64, scratch_operands = 5 : i64, tpu.core_type = #tpu.core_type<sc_vector_subcore>, window_params = [{transform_indices = #map}, {transform_indices = #map1}]} {
    %mul3A = arith.constant 2 : i32
    %mul3A_0 = arith.muli %arg1, %mul3A : i32
    %add3A = arith.addi %mul3A_0, %arg0 : i32
    %jit3A = arith.constant 4 : i32
    %div3A = arith.divsi %add3A, %jit3A : i32
    %sign3A = arith.constant 0 : i32
    %sign3A_1 = arith.cmpi sgt, %add3A, %sign3A : i32
    %sign3A_2 = arith.extui %sign3A_1 : i1 to i32
    %sign3A_3 = arith.constant 0 : i32
    %sign3A_4 = arith.cmpi slt, %add3A, %sign3A_3 : i32
    %sign3A_5 = arith.extui %sign3A_4 : i1 to i32
    %sign3A_6 = arith.subi %sign3A_2, %sign3A_5 : i32
    %sign3A_7 = arith.constant 0 : i32
    %sign3A_8 = arith.cmpi sgt, %jit3A, %sign3A_7 : i32
    %sign3A_9 = arith.extui %sign3A_8 : i1 to i32
    %sign3A_10 = arith.constant 0 : i32
    %sign3A_11 = arith.cmpi slt, %jit3A, %sign3A_10 : i32
    %sign3A_12 = arith.extui %sign3A_11 : i1 to i32
    %sign3A_13 = arith.subi %sign3A_9, %sign3A_12 : i32
    %ne3A = arith.cmpi ne, %sign3A_6, %sign3A_13 : i32
    %rem3A = arith.remsi %add3A, %jit3A : i32
    %ne3A_14 = arith.constant 0 : i32
    %ne3A_15 = arith.cmpi ne, %rem3A, %ne3A_14 : i32
    %and3A = arith.andi %ne3A, %ne3A_15 : i1
    %sub3A = arith.constant 1 : i32
    %sub3A_16 = arith.subi %div3A, %sub3A : i32
    %select_n3A = arith.select %and3A, %sub3A_16, %div3A : i32
    %jit3A_17 = arith.constant 4 : i32
    %eq3A = arith.constant 0 : i32
    %eq3A_18 = arith.cmpi eq, %jit3A_17, %eq3A : i32
    %jit3A_19 = arith.constant 1 : i32
    %select_n3A_20 = arith.select %eq3A_18, %jit3A_19, %jit3A_17 : i32
    %rem3A_21 = arith.remsi %add3A, %select_n3A_20 : i32
    %ne3A_22 = arith.constant 0 : i32
    %ne3A_23 = arith.cmpi ne, %rem3A_21, %ne3A_22 : i32
    %lt3A = arith.constant 0 : i32
    %lt3A_24 = arith.cmpi slt, %rem3A_21, %lt3A : i32
    %lt3A_25 = arith.constant 0 : i32
    %lt3A_26 = arith.cmpi slt, %select_n3A_20, %lt3A_25 : i32
    %ne3A_27 = arith.xori %lt3A_24, %lt3A_26 : i1
    %and3A_28 = arith.andi %ne3A_27, %ne3A_23 : i1
    %add3A_29 = arith.addi %rem3A_21, %select_n3A_20 : i32
    %select_n3A_30 = arith.select %and3A_28, %add3A_29, %rem3A_21 : i32
    %mul3A_31 = arith.constant 12 : i32
    %mul3A_32 = arith.muli %select_n3A_30, %mul3A_31 : i32
    %add3A_33 = arith.constant 12 : i32
    %add3A_34 = arith.addi %mul3A_32, %add3A_33 : i32
    "tpu.region"() ({
      %run_scoped3A = tpu.sem_alloc : memref<!tpu.dma_semaphore, #tpu.memory_space<semaphore_mem>>
      tpu.enqueue_dma source(%arg2 : memref<65104xi32, #tpu.memory_space<hbm>>) target(%arg4 : memref<65104xi32, #tpu.memory_space<vmem>>) target_semaphore(%run_scoped3A : memref<!tpu.dma_semaphore, #tpu.memory_space<semaphore_mem>>)
      tpu.wait_dma2 semaphore(%run_scoped3A : memref<!tpu.dma_semaphore, #tpu.memory_space<semaphore_mem>>) src(%arg2 : memref<65104xi32, #tpu.memory_space<hbm>>) dst(%arg4 : memref<65104xi32, #tpu.memory_space<vmem>>)
      tpu.yield
    }) : () -> ()
    %broadcast_in_dim3A = arith.constant 0.000000e+00 : f32
    %broadcast_in_dim3A_35 = vector.broadcast %broadcast_in_dim3A : f32 to vector<16xf32>
    %parallel_loop3A = arith.constant 0 : i32
    %parallel_loop3A_36 = arith.constant 27648 : i32
    %parallel_loop3A_37 = arith.constant 16 : i32
    scf.for %parallel_loop3A_56 = %parallel_loop3A to %parallel_loop3A_36 step %parallel_loop3A_37  : i32 {
      %parallel_loop3A_57 = arith.index_cast %parallel_loop3A_56 : i32 to index
      %parallel_loop3A_58 = tpu.vector_load %arg5[%parallel_loop3A_57] {strides = array<i32>} : memref<27648xf32, #tpu.memory_space<vmem>>, vector<16xf32>,
      tpu.vector_store %arg5[%parallel_loop3A_57], %broadcast_in_dim3A_35 {strides = array<i32>} : memref<27648xf32, #tpu.memory_space<vmem>>, vector<16xf32>,
    } {sc.loop_unroll_factor = 8 : i64, sc.parallel_access}
    %iota3A = tpu.iota {dimensions = array<i32: 0>} : vector<16xi32>
    %scan3A = arith.constant 0 : i32
    %scan3A_38 = arith.constant 0 : i32
    %scan3A_39 = arith.constant 313 : i32
    %scan3A_40 = arith.addi %scan3A_38, %scan3A_39 : i32
    %scan3A_41 = arith.constant 1 : i32
    %scan3A_42 = scf.for %scan3A_56 = %scan3A_38 to %scan3A_40 step %scan3A_41 iter_args(%scan3A_57 = %scan3A) -> (i32)  : i32 {
      %mul3A_58 = arith.constant 16 : i32
      %mul3A_59 = arith.muli %scan3A_56, %mul3A_58 : i32
      %get3A = arith.index_cast %mul3A_59 : i32 to index
      %get3A_60 = tpu.vector_load %arg4[%get3A] {strides = array<i32>} : memref<65104xi32, #tpu.memory_space<vmem>>, vector<16xi32>,
      %add3A_61 = arith.constant 5008 : i32
      %add3A_62 = arith.addi %add3A_61, %mul3A_59 : i32
      %get3A_63 = arith.index_cast %add3A_62 : i32 to index
      %get3A_64 = tpu.vector_load %arg4[%get3A_63] {strides = array<i32>} : memref<65104xi32, #tpu.memory_space<vmem>>, vector<16xi32>,
      %add3A_65 = arith.constant 10016 : i32
      %add3A_66 = arith.addi %add3A_65, %mul3A_59 : i32
      %get3A_67 = arith.index_cast %add3A_66 : i32 to index
      %get3A_68 = tpu.vector_load %arg4[%get3A_67] {strides = array<i32>} : memref<65104xi32, #tpu.memory_space<vmem>>, vector<16xi32>,
      %eq3A_69 = vector.broadcast %select_n3A : i32 to vector<16xi32>
      %eq3A_70 = arith.cmpi eq, %get3A_60, %eq3A_69 : vector<16xi32>
      %lt3A_71 = vector.broadcast %add3A_34 : i32 to vector<16xi32>
      %lt3A_72 = arith.cmpi slt, %get3A_64, %lt3A_71 : vector<16xi32>
      %and3A_73 = arith.andi %eq3A_70, %lt3A_72 : vector<16xi1>
      %gt3A = vector.broadcast %mul3A_32 : i32 to vector<16xi32>
      %gt3A_74 = arith.cmpi sgt, %get3A_68, %gt3A : vector<16xi32>
      %and3A_75 = arith.andi %and3A_73, %gt3A_74 : vector<16xi1>
      %convert_element_type3A = arith.extui %and3A_75 : vector<16xi1> to vector<16xi32>
      %broadcast_in_dim3A_76 = arith.constant true
      %broadcast_in_dim3A_77 = vector.broadcast %broadcast_in_dim3A_76 : i1 to vector<16xi1>
      %masked_cumsum3A = tpu.scan <sum>, %convert_element_type3A masked %broadcast_in_dim3A_77 : vector<16xi32>, vector<16xi1> -> vector<16xi32>
      %add3A_78 = vector.broadcast %scan3A_57 : i32 to vector<16xi32>
      %add3A_79 = arith.addi %add3A_78, %masked_cumsum3A : vector<16xi32>
      %sub3A_80 = arith.constant 1 : i32
      %sub3A_81 = vector.broadcast %sub3A_80 : i32 to vector<16xi32>
      %sub3A_82 = arith.subi %add3A_79, %sub3A_81 : vector<16xi32>
      %jit3A_83 = arith.constant 5024 : i32
      %broadcast_in_dim3A_84 = vector.broadcast %jit3A_83 : i32 to vector<16xi32>
      %select_n3A_85 = arith.select %and3A_75, %sub3A_82, %broadcast_in_dim3A_84 : vector<16xi1>, vector<16xi32>
      %add3A_86 = vector.broadcast %mul3A_59 : i32 to vector<16xi32>
      %add3A_87 = arith.addi %add3A_86, %iota3A : vector<16xi32>
      tpu.vector_store_idx %arg6[%select_n3A_85], %add3A_87 : memref<5040xi32, #tpu.memory_space<vmem>>[vector<16xi32>], vector<16xi32>,
      %slice3A = vector.extract_strided_slice %masked_cumsum3A {offsets = [15], sizes = [1], strides = [1]} : vector<16xi32> to vector<1xi32>
      %squeeze3A = vector.extract %slice3A[0] : i32 from vector<1xi32>
      %add3A_88 = arith.addi %scan3A_57, %squeeze3A : i32
      scf.yield %add3A_88 : i32
    }
    %scan3A_43 = arith.constant 313 : i32
    %broadcast_in_dim3A_44 = arith.constant 1.10363829 : f32
    %broadcast_in_dim3A_45 = vector.broadcast %broadcast_in_dim3A_44 : f32 to vector<16xf32>
    %while3A = arith.constant 0 : i32
    %while3A_46 = arith.constant 1597463007 : i32
    %while3A_47 = arith.constant 0 : i32
    %while3A_48 = arith.subi %scan3A_42, %while3A_47 : i32
    %while3A_49 = arith.addi %while3A_47, %while3A_48 : i32
    %while3A_50 = arith.constant 1 : i32
    %while3A_51 = arith.divsi %while3A_48, %while3A_50 : i32
    %while3A_52 = arith.muli %while3A_51, %while3A_50 : i32
    %while3A_53 = arith.addi %while3A_47, %while3A_52 : i32
    %while3A_54 = arith.constant 1 : i32
    scf.for %while3A_56 = %while3A_47 to %while3A_53 step %while3A_54  : i32 {
      %get3A = arith.index_cast %while3A_56 : i32 to index
      %get3A_57 = tpu.vector_load %arg6[%get3A] {strides = array<i32>} : memref<5040xi32, #tpu.memory_space<vmem>>, vector<16xi32>,
      %slice3A = vector.extract_strided_slice %get3A_57 {offsets = [0], sizes = [1], strides = [1]} : vector<16xi32> to vector<1xi32>
      %squeeze3A = vector.extract %slice3A[0] : i32 from vector<1xi32>
      %min3A = arith.constant 12 : i32
      %min3A_58 = vector.broadcast %min3A : i32 to vector<16xi32>
      %min3A_59 = arith.minsi %iota3A, %min3A_58 : vector<16xi32>
      %mul3A_60 = arith.constant 5008 : i32
      %mul3A_61 = vector.broadcast %mul3A_60 : i32 to vector<16xi32>
      %mul3A_62 = arith.muli %min3A_59, %mul3A_61 : vector<16xi32>
      %add3A_63 = vector.broadcast %squeeze3A : i32 to vector<16xi32>
      %add3A_64 = arith.addi %mul3A_62, %add3A_63 : vector<16xi32>
      %gather3A = tpu.vector_load_idx %arg4[%add3A_64] : memref<65104xi32, #tpu.memory_space<vmem>>[vector<16xi32>], vector<16xi32>,
      %slice3A_65 = vector.extract_strided_slice %gather3A {offsets = [1], sizes = [1], strides = [1]} : vector<16xi32> to vector<1xi32>
      %squeeze3A_66 = vector.extract %slice3A_65[0] : i32 from vector<1xi32>
      %slice3A_67 = vector.extract_strided_slice %gather3A {offsets = [2], sizes = [1], strides = [1]} : vector<16xi32> to vector<1xi32>
      %squeeze3A_68 = vector.extract %slice3A_67[0] : i32 from vector<1xi32>
      %slice3A_69 = vector.extract_strided_slice %gather3A {offsets = [3], sizes = [1], strides = [1]} : vector<16xi32> to vector<1xi32>
      %squeeze3A_70 = vector.extract %slice3A_69[0] : i32 from vector<1xi32>
      %slice3A_71 = vector.extract_strided_slice %gather3A {offsets = [4], sizes = [1], strides = [1]} : vector<16xi32> to vector<1xi32>
      %squeeze3A_72 = vector.extract %slice3A_71[0] : i32 from vector<1xi32>
      %slice3A_73 = vector.extract_strided_slice %gather3A {offsets = [5], sizes = [1], strides = [1]} : vector<16xi32> to vector<1xi32>
      %squeeze3A_74 = vector.extract %slice3A_73[0] : i32 from vector<1xi32>
      %slice3A_75 = vector.extract_strided_slice %gather3A {offsets = [6], sizes = [1], strides = [1]} : vector<16xi32> to vector<1xi32>
      %squeeze3A_76 = vector.extract %slice3A_75[0] : i32 from vector<1xi32>
      %slice3A_77 = vector.extract_strided_slice %gather3A {offsets = [7], sizes = [1], strides = [1]} : vector<16xi32> to vector<1xi32>
      %squeeze3A_78 = vector.extract %slice3A_77[0] : i32 from vector<1xi32>
      %broadcast_in_dim3A_79 = vector.broadcast %squeeze3A_78 : i32 to vector<16xi32>
      %bitcast3A = vector.bitcast %broadcast_in_dim3A_79 : vector<16xi32> to vector<16xf32>
      %slice3A_80 = vector.extract_strided_slice %gather3A {offsets = [8], sizes = [1], strides = [1]} : vector<16xi32> to vector<1xi32>
      %squeeze3A_81 = vector.extract %slice3A_80[0] : i32 from vector<1xi32>
      %broadcast_in_dim3A_82 = vector.broadcast %squeeze3A_81 : i32 to vector<16xi32>
      %bitcast3A_83 = vector.bitcast %broadcast_in_dim3A_82 : vector<16xi32> to vector<16xf32>
      %slice3A_84 = vector.extract_strided_slice %gather3A {offsets = [9], sizes = [1], strides = [1]} : vector<16xi32> to vector<1xi32>
      %squeeze3A_85 = vector.extract %slice3A_84[0] : i32 from vector<1xi32>
      %broadcast_in_dim3A_86 = vector.broadcast %squeeze3A_85 : i32 to vector<16xi32>
      %bitcast3A_87 = vector.bitcast %broadcast_in_dim3A_86 : vector<16xi32> to vector<16xf32>
      %slice3A_88 = vector.extract_strided_slice %gather3A {offsets = [10], sizes = [1], strides = [1]} : vector<16xi32> to vector<1xi32>
      %squeeze3A_89 = vector.extract %slice3A_88[0] : i32 from vector<1xi32>
      %broadcast_in_dim3A_90 = vector.broadcast %squeeze3A_89 : i32 to vector<16xi32>
      %bitcast3A_91 = vector.bitcast %broadcast_in_dim3A_90 : vector<16xi32> to vector<16xf32>
      %slice3A_92 = vector.extract_strided_slice %gather3A {offsets = [11], sizes = [1], strides = [1]} : vector<16xi32> to vector<1xi32>
      %squeeze3A_93 = vector.extract %slice3A_92[0] : i32 from vector<1xi32>
      %broadcast_in_dim3A_94 = vector.broadcast %squeeze3A_93 : i32 to vector<16xi32>
      %bitcast3A_95 = vector.bitcast %broadcast_in_dim3A_94 : vector<16xi32> to vector<16xf32>
      %slice3A_96 = vector.extract_strided_slice %gather3A {offsets = [12], sizes = [1], strides = [1]} : vector<16xi32> to vector<1xi32>
      %squeeze3A_97 = vector.extract %slice3A_96[0] : i32 from vector<1xi32>
      %broadcast_in_dim3A_98 = vector.broadcast %squeeze3A_97 : i32 to vector<16xi32>
      %bitcast3A_99 = vector.bitcast %broadcast_in_dim3A_98 : vector<16xi32> to vector<16xf32>
      %mul3A_100 = arith.constant 2.250000e+00 : f32
      %mul3A_101 = vector.broadcast %mul3A_100 : f32 to vector<16xf32>
      %mul3A_102 = arith.mulf %bitcast3A_91, %mul3A_101 : vector<16xf32>
      %min3A_103 = arith.constant 32 : i32
      %min3A_104 = arith.minsi %squeeze3A_74, %min3A_103 : i32
      %add3A_105 = vector.broadcast %min3A_104 : i32 to vector<16xi32>
      %add3A_106 = arith.addi %add3A_105, %iota3A : vector<16xi32>
      %ge3A = vector.broadcast %squeeze3A_74 : i32 to vector<16xi32>
      %ge3A_107 = arith.cmpi sge, %add3A_106, %ge3A : vector<16xi32>
      %lt3A_108 = vector.broadcast %squeeze3A_76 : i32 to vector<16xi32>
      %lt3A_109 = arith.cmpi slt, %add3A_106, %lt3A_108 : vector<16xi32>
      %and3A_110 = arith.andi %ge3A_107, %lt3A_109 : vector<16xi1>
      %convert_element_type3A = arith.sitofp %add3A_106 : vector<16xi32> to vector<16xf32>
      %mul3A_111 = arith.constant 5.000000e-01 : f32
      %mul3A_112 = vector.broadcast %mul3A_111 : f32 to vector<16xf32>
      %mul3A_113 = arith.mulf %convert_element_type3A, %mul3A_112 : vector<16xf32>
      %sub3A_114 = arith.subf %mul3A_113, %bitcast3A_87 : vector<16xf32>
      %mul3A_115 = arith.mulf %sub3A_114, %sub3A_114 : vector<16xf32>
      %jit3A_116 = arith.constant 1.000000e+09 : f32
      %broadcast_in_dim3A_117 = vector.broadcast %jit3A_116 : f32 to vector<16xf32>
      %select_n3A_118 = arith.select %and3A_110, %mul3A_115, %broadcast_in_dim3A_117 : vector<16xi1>, vector<16xf32>
      %max3A = arith.maxsi %squeeze3A_66, %mul3A_32 : i32
      %min3A_119 = arith.minsi %squeeze3A_68, %add3A_34 : i32
      %sub3A_120 = arith.subi %min3A_119, %max3A : i32
      %min3A_121 = arith.constant 34 : i32
      %min3A_122 = arith.minsi %squeeze3A_70, %min3A_121 : i32
      %parallel_loop3A_123 = arith.constant 0 : i32
      %parallel_loop3A_124 = arith.constant 14 : i32
      %parallel_loop3A_125 = arith.constant 1 : i32
      scf.for %parallel_loop3A_143 = %parallel_loop3A_123 to %parallel_loop3A_124 step %parallel_loop3A_125  : i32 {
        %parallel_loop3A_144 = arith.addi %min3A_122, %parallel_loop3A_143 : i32
        %parallel_loop3A_145 = arith.cmpi sge, %parallel_loop3A_144, %squeeze3A_70 : i32
        %parallel_loop3A_146 = arith.cmpi slt, %parallel_loop3A_144, %squeeze3A_72 : i32
        %parallel_loop3A_147 = arith.andi %parallel_loop3A_145, %parallel_loop3A_146 : i1
        %parallel_loop3A_148 = vector.broadcast %parallel_loop3A_144 : i32 to vector<16xi32>
        %parallel_loop3A_149 = arith.sitofp %parallel_loop3A_148 : vector<16xi32> to vector<16xf32>
        %parallel_loop3A_150 = arith.constant 5.000000e-01 : f32
        %parallel_loop3A_151 = vector.broadcast %parallel_loop3A_150 : f32 to vector<16xf32>
        %parallel_loop3A_152 = arith.mulf %parallel_loop3A_149, %parallel_loop3A_151 : vector<16xf32>
        %parallel_loop3A_153 = arith.subf %parallel_loop3A_152, %bitcast3A_83 : vector<16xf32>
        %parallel_loop3A_154 = vector.broadcast %parallel_loop3A_147 : i1 to vector<16xi1>
        %parallel_loop3A_155 = arith.mulf %parallel_loop3A_153, %parallel_loop3A_153 : vector<16xf32>
        %parallel_loop3A_156 = arith.constant 1.000000e+09 : f32
        %parallel_loop3A_157 = vector.broadcast %parallel_loop3A_156 : f32 to vector<16xf32>
        %parallel_loop3A_158 = arith.select %parallel_loop3A_154, %parallel_loop3A_155, %parallel_loop3A_157 : vector<16xi1>, vector<16xf32>
        %parallel_loop3A_159 = arith.constant 16 : i32
        %parallel_loop3A_160 = arith.muli %parallel_loop3A_143, %parallel_loop3A_159 : i32
        %parallel_loop3A_161 = arith.index_cast %parallel_loop3A_160 : i32 to index
        %parallel_loop3A_162 = tpu.vector_load %arg8[%parallel_loop3A_161] {strides = array<i32>} : memref<256xf32, #tpu.memory_space<vmem>>, vector<16xf32>,
        tpu.vector_store %arg8[%parallel_loop3A_161], %parallel_loop3A_158 {strides = array<i32>} : memref<256xf32, #tpu.memory_space<vmem>>, vector<16xf32>,
      } {sc.loop_unroll_factor = 2 : i64, sc.parallel_access}
      %sub3A_126 = arith.subi %max3A, %mul3A_32 : i32
      %mul3A_127 = arith.constant 2304 : i32
      %mul3A_128 = arith.muli %sub3A_126, %mul3A_127 : i32
      %mul3A_129 = arith.constant 48 : i32
      %mul3A_130 = arith.muli %min3A_122, %mul3A_129 : i32
      %add3A_131 = arith.addi %mul3A_128, %mul3A_130 : i32
      %add3A_132 = arith.addi %add3A_131, %min3A_104 : i32
      %while3A_133 = arith.constant 0 : i32
      %while3A_134 = arith.constant 0 : i32
      %while3A_135 = arith.subi %sub3A_120, %while3A_134 : i32
      %while3A_136 = arith.addi %while3A_134, %while3A_135 : i32
      %while3A_137 = arith.constant 1 : i32
      %while3A_138 = arith.divsi %while3A_135, %while3A_137 : i32
      %while3A_139 = arith.muli %while3A_138, %while3A_137 : i32
      %while3A_140 = arith.addi %while3A_134, %while3A_139 : i32
      %while3A_141 = arith.constant 1 : i32
      scf.for %while3A_143 = %while3A_134 to %while3A_140 step %while3A_141  : i32 {
        %add3A_144 = arith.addi %max3A, %while3A_143 : i32
        %broadcast_in_dim3A_145 = vector.broadcast %add3A_144 : i32 to vector<16xi32>
        %convert_element_type3A_146 = arith.sitofp %broadcast_in_dim3A_145 : vector<16xi32> to vector<16xf32>
        %mul3A_147 = arith.constant 5.000000e-01 : f32
        %mul3A_148 = vector.broadcast %mul3A_147 : f32 to vector<16xf32>
        %mul3A_149 = arith.mulf %convert_element_type3A_146, %mul3A_148 : vector<16xf32>
        %sub3A_150 = arith.subf %mul3A_149, %bitcast3A : vector<16xf32>
        %mul3A_151 = arith.mulf %sub3A_150, %sub3A_150 : vector<16xf32>
        %add3A_152 = arith.addf %mul3A_151, %select_n3A_118 : vector<16xf32>
        %mul3A_153 = arith.constant 2304 : i32
        %mul3A_154 = arith.muli %while3A_143, %mul3A_153 : i32
        %add3A_155 = arith.addi %add3A_132, %mul3A_154 : i32
        %parallel_loop3A_156 = arith.constant 0 : i32
        %parallel_loop3A_157 = arith.constant 14 : i32
        %parallel_loop3A_158 = arith.constant 1 : i32
        scf.for %parallel_loop3A_159 = %parallel_loop3A_156 to %parallel_loop3A_157 step %parallel_loop3A_158  : i32 {
          %parallel_loop3A_160 = arith.constant 16 : i32
          %parallel_loop3A_161 = arith.muli %parallel_loop3A_159, %parallel_loop3A_160 : i32
          %parallel_loop3A_162 = arith.index_cast %parallel_loop3A_161 : i32 to index
          %parallel_loop3A_163 = tpu.vector_load %arg8[%parallel_loop3A_162] {strides = array<i32>} : memref<256xf32, #tpu.memory_space<vmem>>, vector<16xf32>,
          %parallel_loop3A_164 = arith.addf %add3A_152, %parallel_loop3A_163 : vector<16xf32>
          %parallel_loop3A_165 = vector.bitcast %parallel_loop3A_164 : vector<16xf32> to vector<16xi32>
          %parallel_loop3A_166 = arith.constant 1 : i32
          %parallel_loop3A_167 = vector.broadcast %parallel_loop3A_166 : i32 to vector<16xi32>
          %parallel_loop3A_168 = arith.shrui %parallel_loop3A_165, %parallel_loop3A_167 : vector<16xi32>
          %parallel_loop3A_169 = vector.broadcast %while3A_46 : i32 to vector<16xi32>
          %parallel_loop3A_170 = arith.subi %parallel_loop3A_169, %parallel_loop3A_168 : vector<16xi32>
          %parallel_loop3A_171 = vector.bitcast %parallel_loop3A_170 : vector<16xi32> to vector<16xf32>
          %parallel_loop3A_172 = arith.constant 5.000000e-01 : f32
          %parallel_loop3A_173 = vector.broadcast %parallel_loop3A_172 : f32 to vector<16xf32>
          %parallel_loop3A_174 = arith.mulf %parallel_loop3A_173, %parallel_loop3A_164 : vector<16xf32>
          %parallel_loop3A_175 = arith.mulf %parallel_loop3A_174, %parallel_loop3A_171 : vector<16xf32>
          %parallel_loop3A_176 = arith.mulf %parallel_loop3A_175, %parallel_loop3A_171 : vector<16xf32>
          %parallel_loop3A_177 = arith.constant 1.500000e+00 : f32
          %parallel_loop3A_178 = vector.broadcast %parallel_loop3A_177 : f32 to vector<16xf32>
          %parallel_loop3A_179 = arith.subf %parallel_loop3A_178, %parallel_loop3A_176 : vector<16xf32>
          %parallel_loop3A_180 = arith.mulf %parallel_loop3A_171, %parallel_loop3A_179 : vector<16xf32>
          %parallel_loop3A_181 = arith.mulf %parallel_loop3A_164, %parallel_loop3A_180 : vector<16xf32>
          %parallel_loop3A_182 = arith.mulf %bitcast3A_95, %parallel_loop3A_164 : vector<16xf32>
          %parallel_loop3A_183 = math.exp %parallel_loop3A_182 : vector<16xf32>
          %parallel_loop3A_184 = arith.mulf %bitcast3A_99, %parallel_loop3A_181 : vector<16xf32>
          %parallel_loop3A_185 = arith.subf %parallel_loop3A_184, %broadcast_in_dim3A_45 : vector<16xf32>
          %parallel_loop3A_186 = arith.mulf %parallel_loop3A_185, %parallel_loop3A_185 : vector<16xf32>
          %parallel_loop3A_187 = arith.cmpf olt, %parallel_loop3A_164, %bitcast3A_91 : vector<16xf32>
          %parallel_loop3A_188 = arith.cmpf olt, %parallel_loop3A_164, %mul3A_102 : vector<16xf32>
          %parallel_loop3A_189 = arith.select %parallel_loop3A_188, %parallel_loop3A_186, %broadcast_in_dim3A_35 : vector<16xi1>, vector<16xf32>
          %parallel_loop3A_190 = arith.select %parallel_loop3A_187, %parallel_loop3A_183, %parallel_loop3A_189 : vector<16xi1>, vector<16xf32>
          %parallel_loop3A_191 = arith.constant 48 : i32
          %parallel_loop3A_192 = arith.muli %parallel_loop3A_159, %parallel_loop3A_191 : i32
          %parallel_loop3A_193 = arith.addi %add3A_155, %parallel_loop3A_192 : i32
          %parallel_loop3A_194 = arith.index_cast %parallel_loop3A_193 : i32 to index
          %parallel_loop3A_195 = tpu.vector_load %arg5[%parallel_loop3A_194] {strides = array<i32>} : memref<27648xf32, #tpu.memory_space<vmem>>, vector<16xf32>,
          tpu.vector_store %arg5[%parallel_loop3A_194], %parallel_loop3A_190 {add = true, strides = array<i32>} : memref<27648xf32, #tpu.memory_space<vmem>>, vector<16xf32>,
        } {sc.loop_unroll_factor = 14 : i64, sc.parallel_access}
      }
      %while3A_142 = arith.constant 1 : i32
      scf.for %while3A_143 = %while3A_140 to %while3A_136 step %while3A_142  : i32 {
        %add3A_144 = arith.addi %max3A, %while3A_143 : i32
        %broadcast_in_dim3A_145 = vector.broadcast %add3A_144 : i32 to vector<16xi32>
        %convert_element_type3A_146 = arith.sitofp %broadcast_in_dim3A_145 : vector<16xi32> to vector<16xf32>
        %mul3A_147 = arith.constant 5.000000e-01 : f32
        %mul3A_148 = vector.broadcast %mul3A_147 : f32 to vector<16xf32>
        %mul3A_149 = arith.mulf %convert_element_type3A_146, %mul3A_148 : vector<16xf32>
        %sub3A_150 = arith.subf %mul3A_149, %bitcast3A : vector<16xf32>
        %mul3A_151 = arith.mulf %sub3A_150, %sub3A_150 : vector<16xf32>
        %add3A_152 = arith.addf %mul3A_151, %select_n3A_118 : vector<16xf32>
        %mul3A_153 = arith.constant 2304 : i32
        %mul3A_154 = arith.muli %while3A_143, %mul3A_153 : i32
        %add3A_155 = arith.addi %add3A_132, %mul3A_154 : i32
        %parallel_loop3A_156 = arith.constant 0 : i32
        %parallel_loop3A_157 = arith.constant 14 : i32
        %parallel_loop3A_158 = arith.constant 1 : i32
        scf.for %parallel_loop3A_159 = %parallel_loop3A_156 to %parallel_loop3A_157 step %parallel_loop3A_158  : i32 {
          %parallel_loop3A_160 = arith.constant 16 : i32
          %parallel_loop3A_161 = arith.muli %parallel_loop3A_159, %parallel_loop3A_160 : i32
          %parallel_loop3A_162 = arith.index_cast %parallel_loop3A_161 : i32 to index
          %parallel_loop3A_163 = tpu.vector_load %arg8[%parallel_loop3A_162] {strides = array<i32>} : memref<256xf32, #tpu.memory_space<vmem>>, vector<16xf32>,
          %parallel_loop3A_164 = arith.addf %add3A_152, %parallel_loop3A_163 : vector<16xf32>
          %parallel_loop3A_165 = vector.bitcast %parallel_loop3A_164 : vector<16xf32> to vector<16xi32>
          %parallel_loop3A_166 = arith.constant 1 : i32
          %parallel_loop3A_167 = vector.broadcast %parallel_loop3A_166 : i32 to vector<16xi32>
          %parallel_loop3A_168 = arith.shrui %parallel_loop3A_165, %parallel_loop3A_167 : vector<16xi32>
          %parallel_loop3A_169 = vector.broadcast %while3A_46 : i32 to vector<16xi32>
          %parallel_loop3A_170 = arith.subi %parallel_loop3A_169, %parallel_loop3A_168 : vector<16xi32>
          %parallel_loop3A_171 = vector.bitcast %parallel_loop3A_170 : vector<16xi32> to vector<16xf32>
          %parallel_loop3A_172 = arith.constant 5.000000e-01 : f32
          %parallel_loop3A_173 = vector.broadcast %parallel_loop3A_172 : f32 to vector<16xf32>
          %parallel_loop3A_174 = arith.mulf %parallel_loop3A_173, %parallel_loop3A_164 : vector<16xf32>
          %parallel_loop3A_175 = arith.mulf %parallel_loop3A_174, %parallel_loop3A_171 : vector<16xf32>
          %parallel_loop3A_176 = arith.mulf %parallel_loop3A_175, %parallel_loop3A_171 : vector<16xf32>
          %parallel_loop3A_177 = arith.constant 1.500000e+00 : f32
          %parallel_loop3A_178 = vector.broadcast %parallel_loop3A_177 : f32 to vector<16xf32>
          %parallel_loop3A_179 = arith.subf %parallel_loop3A_178, %parallel_loop3A_176 : vector<16xf32>
          %parallel_loop3A_180 = arith.mulf %parallel_loop3A_171, %parallel_loop3A_179 : vector<16xf32>
          %parallel_loop3A_181 = arith.mulf %parallel_loop3A_164, %parallel_loop3A_180 : vector<16xf32>
          %parallel_loop3A_182 = arith.mulf %bitcast3A_95, %parallel_loop3A_164 : vector<16xf32>
          %parallel_loop3A_183 = math.exp %parallel_loop3A_182 : vector<16xf32>
          %parallel_loop3A_184 = arith.mulf %bitcast3A_99, %parallel_loop3A_181 : vector<16xf32>
          %parallel_loop3A_185 = arith.subf %parallel_loop3A_184, %broadcast_in_dim3A_45 : vector<16xf32>
          %parallel_loop3A_186 = arith.mulf %parallel_loop3A_185, %parallel_loop3A_185 : vector<16xf32>
          %parallel_loop3A_187 = arith.cmpf olt, %parallel_loop3A_164, %bitcast3A_91 : vector<16xf32>
          %parallel_loop3A_188 = arith.cmpf olt, %parallel_loop3A_164, %mul3A_102 : vector<16xf32>
          %parallel_loop3A_189 = arith.select %parallel_loop3A_188, %parallel_loop3A_186, %broadcast_in_dim3A_35 : vector<16xi1>, vector<16xf32>
          %parallel_loop3A_190 = arith.select %parallel_loop3A_187, %parallel_loop3A_183, %parallel_loop3A_189 : vector<16xi1>, vector<16xf32>
          %parallel_loop3A_191 = arith.constant 48 : i32
          %parallel_loop3A_192 = arith.muli %parallel_loop3A_159, %parallel_loop3A_191 : i32
          %parallel_loop3A_193 = arith.addi %add3A_155, %parallel_loop3A_192 : i32
          %parallel_loop3A_194 = arith.index_cast %parallel_loop3A_193 : i32 to index
          %parallel_loop3A_195 = tpu.vector_load %arg5[%parallel_loop3A_194] {strides = array<i32>} : memref<27648xf32, #tpu.memory_space<vmem>>, vector<16xf32>,
          tpu.vector_store %arg5[%parallel_loop3A_194], %parallel_loop3A_190 {add = true, strides = array<i32>} : memref<27648xf32, #tpu.memory_space<vmem>>, vector<16xf32>,
        } {sc.loop_unroll_factor = 14 : i64, sc.parallel_access}
      }
    }
    %while3A_55 = arith.constant 1 : i32
    scf.for %while3A_56 = %while3A_53 to %while3A_49 step %while3A_55  : i32 {
      %get3A = arith.index_cast %while3A_56 : i32 to index
      %get3A_57 = tpu.vector_load %arg6[%get3A] {strides = array<i32>} : memref<5040xi32, #tpu.memory_space<vmem>>, vector<16xi32>,
      %slice3A = vector.extract_strided_slice %get3A_57 {offsets = [0], sizes = [1], strides = [1]} : vector<16xi32> to vector<1xi32>
      %squeeze3A = vector.extract %slice3A[0] : i32 from vector<1xi32>
      %min3A = arith.constant 12 : i32
      %min3A_58 = vector.broadcast %min3A : i32 to vector<16xi32>
      %min3A_59 = arith.minsi %iota3A, %min3A_58 : vector<16xi32>
      %mul3A_60 = arith.constant 5008 : i32
      %mul3A_61 = vector.broadcast %mul3A_60 : i32 to vector<16xi32>
      %mul3A_62 = arith.muli %min3A_59, %mul3A_61 : vector<16xi32>
      %add3A_63 = vector.broadcast %squeeze3A : i32 to vector<16xi32>
      %add3A_64 = arith.addi %mul3A_62, %add3A_63 : vector<16xi32>
      %gather3A = tpu.vector_load_idx %arg4[%add3A_64] : memref<65104xi32, #tpu.memory_space<vmem>>[vector<16xi32>], vector<16xi32>,
      %slice3A_65 = vector.extract_strided_slice %gather3A {offsets = [1], sizes = [1], strides = [1]} : vector<16xi32> to vector<1xi32>
      %squeeze3A_66 = vector.extract %slice3A_65[0] : i32 from vector<1xi32>
      %slice3A_67 = vector.extract_strided_slice %gather3A {offsets = [2], sizes = [1], strides = [1]} : vector<16xi32> to vector<1xi32>
      %squeeze3A_68 = vector.extract %slice3A_67[0] : i32 from vector<1xi32>
      %slice3A_69 = vector.extract_strided_slice %gather3A {offsets = [3], sizes = [1], strides = [1]} : vector<16xi32> to vector<1xi32>
      %squeeze3A_70 = vector.extract %slice3A_69[0] : i32 from vector<1xi32>
      %slice3A_71 = vector.extract_strided_slice %gather3A {offsets = [4], sizes = [1], strides = [1]} : vector<16xi32> to vector<1xi32>
      %squeeze3A_72 = vector.extract %slice3A_71[0] : i32 from vector<1xi32>
      %slice3A_73 = vector.extract_strided_slice %gather3A {offsets = [5], sizes = [1], strides = [1]} : vector<16xi32> to vector<1xi32>
      %squeeze3A_74 = vector.extract %slice3A_73[0] : i32 from vector<1xi32>
      %slice3A_75 = vector.extract_strided_slice %gather3A {offsets = [6], sizes = [1], strides = [1]} : vector<16xi32> to vector<1xi32>
      %squeeze3A_76 = vector.extract %slice3A_75[0] : i32 from vector<1xi32>
      %slice3A_77 = vector.extract_strided_slice %gather3A {offsets = [7], sizes = [1], strides = [1]} : vector<16xi32> to vector<1xi32>
      %squeeze3A_78 = vector.extract %slice3A_77[0] : i32 from vector<1xi32>
      %broadcast_in_dim3A_79 = vector.broadcast %squeeze3A_78 : i32 to vector<16xi32>
      %bitcast3A = vector.bitcast %broadcast_in_dim3A_79 : vector<16xi32> to vector<16xf32>
      %slice3A_80 = vector.extract_strided_slice %gather3A {offsets = [8], sizes = [1], strides = [1]} : vector<16xi32> to vector<1xi32>
      %squeeze3A_81 = vector.extract %slice3A_80[0] : i32 from vector<1xi32>
      %broadcast_in_dim3A_82 = vector.broadcast %squeeze3A_81 : i32 to vector<16xi32>
      %bitcast3A_83 = vector.bitcast %broadcast_in_dim3A_82 : vector<16xi32> to vector<16xf32>
      %slice3A_84 = vector.extract_strided_slice %gather3A {offsets = [9], sizes = [1], strides = [1]} : vector<16xi32> to vector<1xi32>
      %squeeze3A_85 = vector.extract %slice3A_84[0] : i32 from vector<1xi32>
      %broadcast_in_dim3A_86 = vector.broadcast %squeeze3A_85 : i32 to vector<16xi32>
      %bitcast3A_87 = vector.bitcast %broadcast_in_dim3A_86 : vector<16xi32> to vector<16xf32>
      %slice3A_88 = vector.extract_strided_slice %gather3A {offsets = [10], sizes = [1], strides = [1]} : vector<16xi32> to vector<1xi32>
      %squeeze3A_89 = vector.extract %slice3A_88[0] : i32 from vector<1xi32>
      %broadcast_in_dim3A_90 = vector.broadcast %squeeze3A_89 : i32 to vector<16xi32>
      %bitcast3A_91 = vector.bitcast %broadcast_in_dim3A_90 : vector<16xi32> to vector<16xf32>
      %slice3A_92 = vector.extract_strided_slice %gather3A {offsets = [11], sizes = [1], strides = [1]} : vector<16xi32> to vector<1xi32>
      %squeeze3A_93 = vector.extract %slice3A_92[0] : i32 from vector<1xi32>
      %broadcast_in_dim3A_94 = vector.broadcast %squeeze3A_93 : i32 to vector<16xi32>
      %bitcast3A_95 = vector.bitcast %broadcast_in_dim3A_94 : vector<16xi32> to vector<16xf32>
      %slice3A_96 = vector.extract_strided_slice %gather3A {offsets = [12], sizes = [1], strides = [1]} : vector<16xi32> to vector<1xi32>
      %squeeze3A_97 = vector.extract %slice3A_96[0] : i32 from vector<1xi32>
      %broadcast_in_dim3A_98 = vector.broadcast %squeeze3A_97 : i32 to vector<16xi32>
      %bitcast3A_99 = vector.bitcast %broadcast_in_dim3A_98 : vector<16xi32> to vector<16xf32>
      %mul3A_100 = arith.constant 2.250000e+00 : f32
      %mul3A_101 = vector.broadcast %mul3A_100 : f32 to vector<16xf32>
      %mul3A_102 = arith.mulf %bitcast3A_91, %mul3A_101 : vector<16xf32>
      %min3A_103 = arith.constant 32 : i32
      %min3A_104 = arith.minsi %squeeze3A_74, %min3A_103 : i32
      %add3A_105 = vector.broadcast %min3A_104 : i32 to vector<16xi32>
      %add3A_106 = arith.addi %add3A_105, %iota3A : vector<16xi32>
      %ge3A = vector.broadcast %squeeze3A_74 : i32 to vector<16xi32>
      %ge3A_107 = arith.cmpi sge, %add3A_106, %ge3A : vector<16xi32>
      %lt3A_108 = vector.broadcast %squeeze3A_76 : i32 to vector<16xi32>
      %lt3A_109 = arith.cmpi slt, %add3A_106, %lt3A_108 : vector<16xi32>
      %and3A_110 = arith.andi %ge3A_107, %lt3A_109 : vector<16xi1>
      %convert_element_type3A = arith.sitofp %add3A_106 : vector<16xi32> to vector<16xf32>
      %mul3A_111 = arith.constant 5.000000e-01 : f32
      %mul3A_112 = vector.broadcast %mul3A_111 : f32 to vector<16xf32>
      %mul3A_113 = arith.mulf %convert_element_type3A, %mul3A_112 : vector<16xf32>
      %sub3A_114 = arith.subf %mul3A_113, %bitcast3A_87 : vector<16xf32>
      %mul3A_115 = arith.mulf %sub3A_114, %sub3A_114 : vector<16xf32>
      %jit3A_116 = arith.constant 1.000000e+09 : f32
      %broadcast_in_dim3A_117 = vector.broadcast %jit3A_116 : f32 to vector<16xf32>
      %select_n3A_118 = arith.select %and3A_110, %mul3A_115, %broadcast_in_dim3A_117 : vector<16xi1>, vector<16xf32>
      %max3A = arith.maxsi %squeeze3A_66, %mul3A_32 : i32
      %min3A_119 = arith.minsi %squeeze3A_68, %add3A_34 : i32
      %sub3A_120 = arith.subi %min3A_119, %max3A : i32
      %min3A_121 = arith.constant 34 : i32
      %min3A_122 = arith.minsi %squeeze3A_70, %min3A_121 : i32
      %parallel_loop3A_123 = arith.constant 0 : i32
      %parallel_loop3A_124 = arith.constant 14 : i32
      %parallel_loop3A_125 = arith.constant 1 : i32
      scf.for %parallel_loop3A_143 = %parallel_loop3A_123 to %parallel_loop3A_124 step %parallel_loop3A_125  : i32 {
        %parallel_loop3A_144 = arith.addi %min3A_122, %parallel_loop3A_143 : i32
        %parallel_loop3A_145 = arith.cmpi sge, %parallel_loop3A_144, %squeeze3A_70 : i32
        %parallel_loop3A_146 = arith.cmpi slt, %parallel_loop3A_144, %squeeze3A_72 : i32
        %parallel_loop3A_147 = arith.andi %parallel_loop3A_145, %parallel_loop3A_146 : i1
        %parallel_loop3A_148 = vector.broadcast %parallel_loop3A_144 : i32 to vector<16xi32>
        %parallel_loop3A_149 = arith.sitofp %parallel_loop3A_148 : vector<16xi32> to vector<16xf32>
        %parallel_loop3A_150 = arith.constant 5.000000e-01 : f32
        %parallel_loop3A_151 = vector.broadcast %parallel_loop3A_150 : f32 to vector<16xf32>
        %parallel_loop3A_152 = arith.mulf %parallel_loop3A_149, %parallel_loop3A_151 : vector<16xf32>
        %parallel_loop3A_153 = arith.subf %parallel_loop3A_152, %bitcast3A_83 : vector<16xf32>
        %parallel_loop3A_154 = vector.broadcast %parallel_loop3A_147 : i1 to vector<16xi1>
        %parallel_loop3A_155 = arith.mulf %parallel_loop3A_153, %parallel_loop3A_153 : vector<16xf32>
        %parallel_loop3A_156 = arith.constant 1.000000e+09 : f32
        %parallel_loop3A_157 = vector.broadcast %parallel_loop3A_156 : f32 to vector<16xf32>
        %parallel_loop3A_158 = arith.select %parallel_loop3A_154, %parallel_loop3A_155, %parallel_loop3A_157 : vector<16xi1>, vector<16xf32>
        %parallel_loop3A_159 = arith.constant 16 : i32
        %parallel_loop3A_160 = arith.muli %parallel_loop3A_143, %parallel_loop3A_159 : i32
        %parallel_loop3A_161 = arith.index_cast %parallel_loop3A_160 : i32 to index
        %parallel_loop3A_162 = tpu.vector_load %arg8[%parallel_loop3A_161] {strides = array<i32>} : memref<256xf32, #tpu.memory_space<vmem>>, vector<16xf32>,
        tpu.vector_store %arg8[%parallel_loop3A_161], %parallel_loop3A_158 {strides = array<i32>} : memref<256xf32, #tpu.memory_space<vmem>>, vector<16xf32>,
      } {sc.loop_unroll_factor = 2 : i64, sc.parallel_access}
      %sub3A_126 = arith.subi %max3A, %mul3A_32 : i32
      %mul3A_127 = arith.constant 2304 : i32
      %mul3A_128 = arith.muli %sub3A_126, %mul3A_127 : i32
      %mul3A_129 = arith.constant 48 : i32
      %mul3A_130 = arith.muli %min3A_122, %mul3A_129 : i32
      %add3A_131 = arith.addi %mul3A_128, %mul3A_130 : i32
      %add3A_132 = arith.addi %add3A_131, %min3A_104 : i32
      %while3A_133 = arith.constant 0 : i32
      %while3A_134 = arith.constant 0 : i32
      %while3A_135 = arith.subi %sub3A_120, %while3A_134 : i32
      %while3A_136 = arith.addi %while3A_134, %while3A_135 : i32
      %while3A_137 = arith.constant 1 : i32
      %while3A_138 = arith.divsi %while3A_135, %while3A_137 : i32
      %while3A_139 = arith.muli %while3A_138, %while3A_137 : i32
      %while3A_140 = arith.addi %while3A_134, %while3A_139 : i32
      %while3A_141 = arith.constant 1 : i32
      scf.for %while3A_143 = %while3A_134 to %while3A_140 step %while3A_141  : i32 {
        %add3A_144 = arith.addi %max3A, %while3A_143 : i32
        %broadcast_in_dim3A_145 = vector.broadcast %add3A_144 : i32 to vector<16xi32>
        %convert_element_type3A_146 = arith.sitofp %broadcast_in_dim3A_145 : vector<16xi32> to vector<16xf32>
        %mul3A_147 = arith.constant 5.000000e-01 : f32
        %mul3A_148 = vector.broadcast %mul3A_147 : f32 to vector<16xf32>
        %mul3A_149 = arith.mulf %convert_element_type3A_146, %mul3A_148 : vector<16xf32>
        %sub3A_150 = arith.subf %mul3A_149, %bitcast3A : vector<16xf32>
        %mul3A_151 = arith.mulf %sub3A_150, %sub3A_150 : vector<16xf32>
        %add3A_152 = arith.addf %mul3A_151, %select_n3A_118 : vector<16xf32>
        %mul3A_153 = arith.constant 2304 : i32
        %mul3A_154 = arith.muli %while3A_143, %mul3A_153 : i32
        %add3A_155 = arith.addi %add3A_132, %mul3A_154 : i32
        %parallel_loop3A_156 = arith.constant 0 : i32
        %parallel_loop3A_157 = arith.constant 14 : i32
        %parallel_loop3A_158 = arith.constant 1 : i32
        scf.for %parallel_loop3A_159 = %parallel_loop3A_156 to %parallel_loop3A_157 step %parallel_loop3A_158  : i32 {
          %parallel_loop3A_160 = arith.constant 16 : i32
          %parallel_loop3A_161 = arith.muli %parallel_loop3A_159, %parallel_loop3A_160 : i32
          %parallel_loop3A_162 = arith.index_cast %parallel_loop3A_161 : i32 to index
          %parallel_loop3A_163 = tpu.vector_load %arg8[%parallel_loop3A_162] {strides = array<i32>} : memref<256xf32, #tpu.memory_space<vmem>>, vector<16xf32>,
          %parallel_loop3A_164 = arith.addf %add3A_152, %parallel_loop3A_163 : vector<16xf32>
          %parallel_loop3A_165 = vector.bitcast %parallel_loop3A_164 : vector<16xf32> to vector<16xi32>
          %parallel_loop3A_166 = arith.constant 1 : i32
          %parallel_loop3A_167 = vector.broadcast %parallel_loop3A_166 : i32 to vector<16xi32>
          %parallel_loop3A_168 = arith.shrui %parallel_loop3A_165, %parallel_loop3A_167 : vector<16xi32>
          %parallel_loop3A_169 = vector.broadcast %while3A_46 : i32 to vector<16xi32>
          %parallel_loop3A_170 = arith.subi %parallel_loop3A_169, %parallel_loop3A_168 : vector<16xi32>
          %parallel_loop3A_171 = vector.bitcast %parallel_loop3A_170 : vector<16xi32> to vector<16xf32>
          %parallel_loop3A_172 = arith.constant 5.000000e-01 : f32
          %parallel_loop3A_173 = vector.broadcast %parallel_loop3A_172 : f32 to vector<16xf32>
          %parallel_loop3A_174 = arith.mulf %parallel_loop3A_173, %parallel_loop3A_164 : vector<16xf32>
          %parallel_loop3A_175 = arith.mulf %parallel_loop3A_174, %parallel_loop3A_171 : vector<16xf32>
          %parallel_loop3A_176 = arith.mulf %parallel_loop3A_175, %parallel_loop3A_171 : vector<16xf32>
          %parallel_loop3A_177 = arith.constant 1.500000e+00 : f32
          %parallel_loop3A_178 = vector.broadcast %parallel_loop3A_177 : f32 to vector<16xf32>
          %parallel_loop3A_179 = arith.subf %parallel_loop3A_178, %parallel_loop3A_176 : vector<16xf32>
          %parallel_loop3A_180 = arith.mulf %parallel_loop3A_171, %parallel_loop3A_179 : vector<16xf32>
          %parallel_loop3A_181 = arith.mulf %parallel_loop3A_164, %parallel_loop3A_180 : vector<16xf32>
          %parallel_loop3A_182 = arith.mulf %bitcast3A_95, %parallel_loop3A_164 : vector<16xf32>
          %parallel_loop3A_183 = math.exp %parallel_loop3A_182 : vector<16xf32>
          %parallel_loop3A_184 = arith.mulf %bitcast3A_99, %parallel_loop3A_181 : vector<16xf32>
          %parallel_loop3A_185 = arith.subf %parallel_loop3A_184, %broadcast_in_dim3A_45 : vector<16xf32>
          %parallel_loop3A_186 = arith.mulf %parallel_loop3A_185, %parallel_loop3A_185 : vector<16xf32>
          %parallel_loop3A_187 = arith.cmpf olt, %parallel_loop3A_164, %bitcast3A_91 : vector<16xf32>
          %parallel_loop3A_188 = arith.cmpf olt, %parallel_loop3A_164, %mul3A_102 : vector<16xf32>
          %parallel_loop3A_189 = arith.select %parallel_loop3A_188, %parallel_loop3A_186, %broadcast_in_dim3A_35 : vector<16xi1>, vector<16xf32>
          %parallel_loop3A_190 = arith.select %parallel_loop3A_187, %parallel_loop3A_183, %parallel_loop3A_189 : vector<16xi1>, vector<16xf32>
          %parallel_loop3A_191 = arith.constant 48 : i32
          %parallel_loop3A_192 = arith.muli %parallel_loop3A_159, %parallel_loop3A_191 : i32
          %parallel_loop3A_193 = arith.addi %add3A_155, %parallel_loop3A_192 : i32
          %parallel_loop3A_194 = arith.index_cast %parallel_loop3A_193 : i32 to index
          %parallel_loop3A_195 = tpu.vector_load %arg5[%parallel_loop3A_194] {strides = array<i32>} : memref<27648xf32, #tpu.memory_space<vmem>>, vector<16xf32>,
          tpu.vector_store %arg5[%parallel_loop3A_194], %parallel_loop3A_190 {add = true, strides = array<i32>} : memref<27648xf32, #tpu.memory_space<vmem>>, vector<16xf32>,
        } {sc.loop_unroll_factor = 14 : i64, sc.parallel_access}
      }
      %while3A_142 = arith.constant 1 : i32
      scf.for %while3A_143 = %while3A_140 to %while3A_136 step %while3A_142  : i32 {
        %add3A_144 = arith.addi %max3A, %while3A_143 : i32
        %broadcast_in_dim3A_145 = vector.broadcast %add3A_144 : i32 to vector<16xi32>
        %convert_element_type3A_146 = arith.sitofp %broadcast_in_dim3A_145 : vector<16xi32> to vector<16xf32>
        %mul3A_147 = arith.constant 5.000000e-01 : f32
        %mul3A_148 = vector.broadcast %mul3A_147 : f32 to vector<16xf32>
        %mul3A_149 = arith.mulf %convert_element_type3A_146, %mul3A_148 : vector<16xf32>
        %sub3A_150 = arith.subf %mul3A_149, %bitcast3A : vector<16xf32>
        %mul3A_151 = arith.mulf %sub3A_150, %sub3A_150 : vector<16xf32>
        %add3A_152 = arith.addf %mul3A_151, %select_n3A_118 : vector<16xf32>
        %mul3A_153 = arith.constant 2304 : i32
        %mul3A_154 = arith.muli %while3A_143, %mul3A_153 : i32
        %add3A_155 = arith.addi %add3A_132, %mul3A_154 : i32
        %parallel_loop3A_156 = arith.constant 0 : i32
        %parallel_loop3A_157 = arith.constant 14 : i32
        %parallel_loop3A_158 = arith.constant 1 : i32
        scf.for %parallel_loop3A_159 = %parallel_loop3A_156 to %parallel_loop3A_157 step %parallel_loop3A_158  : i32 {
          %parallel_loop3A_160 = arith.constant 16 : i32
          %parallel_loop3A_161 = arith.muli %parallel_loop3A_159, %parallel_loop3A_160 : i32
          %parallel_loop3A_162 = arith.index_cast %parallel_loop3A_161 : i32 to index
          %parallel_loop3A_163 = tpu.vector_load %arg8[%parallel_loop3A_162] {strides = array<i32>} : memref<256xf32, #tpu.memory_space<vmem>>, vector<16xf32>,
          %parallel_loop3A_164 = arith.addf %add3A_152, %parallel_loop3A_163 : vector<16xf32>
          %parallel_loop3A_165 = vector.bitcast %parallel_loop3A_164 : vector<16xf32> to vector<16xi32>
          %parallel_loop3A_166 = arith.constant 1 : i32
          %parallel_loop3A_167 = vector.broadcast %parallel_loop3A_166 : i32 to vector<16xi32>
          %parallel_loop3A_168 = arith.shrui %parallel_loop3A_165, %parallel_loop3A_167 : vector<16xi32>
          %parallel_loop3A_169 = vector.broadcast %while3A_46 : i32 to vector<16xi32>
          %parallel_loop3A_170 = arith.subi %parallel_loop3A_169, %parallel_loop3A_168 : vector<16xi32>
          %parallel_loop3A_171 = vector.bitcast %parallel_loop3A_170 : vector<16xi32> to vector<16xf32>
          %parallel_loop3A_172 = arith.constant 5.000000e-01 : f32
          %parallel_loop3A_173 = vector.broadcast %parallel_loop3A_172 : f32 to vector<16xf32>
          %parallel_loop3A_174 = arith.mulf %parallel_loop3A_173, %parallel_loop3A_164 : vector<16xf32>
          %parallel_loop3A_175 = arith.mulf %parallel_loop3A_174, %parallel_loop3A_171 : vector<16xf32>
          %parallel_loop3A_176 = arith.mulf %parallel_loop3A_175, %parallel_loop3A_171 : vector<16xf32>
          %parallel_loop3A_177 = arith.constant 1.500000e+00 : f32
          %parallel_loop3A_178 = vector.broadcast %parallel_loop3A_177 : f32 to vector<16xf32>
          %parallel_loop3A_179 = arith.subf %parallel_loop3A_178, %parallel_loop3A_176 : vector<16xf32>
          %parallel_loop3A_180 = arith.mulf %parallel_loop3A_171, %parallel_loop3A_179 : vector<16xf32>
          %parallel_loop3A_181 = arith.mulf %parallel_loop3A_164, %parallel_loop3A_180 : vector<16xf32>
          %parallel_loop3A_182 = arith.mulf %bitcast3A_95, %parallel_loop3A_164 : vector<16xf32>
          %parallel_loop3A_183 = math.exp %parallel_loop3A_182 : vector<16xf32>
          %parallel_loop3A_184 = arith.mulf %bitcast3A_99, %parallel_loop3A_181 : vector<16xf32>
          %parallel_loop3A_185 = arith.subf %parallel_loop3A_184, %broadcast_in_dim3A_45 : vector<16xf32>
          %parallel_loop3A_186 = arith.mulf %parallel_loop3A_185, %parallel_loop3A_185 : vector<16xf32>
          %parallel_loop3A_187 = arith.cmpf olt, %parallel_loop3A_164, %bitcast3A_91 : vector<16xf32>
          %parallel_loop3A_188 = arith.cmpf olt, %parallel_loop3A_164, %mul3A_102 : vector<16xf32>
          %parallel_loop3A_189 = arith.select %parallel_loop3A_188, %parallel_loop3A_186, %broadcast_in_dim3A_35 : vector<16xi1>, vector<16xf32>
          %parallel_loop3A_190 = arith.select %parallel_loop3A_187, %parallel_loop3A_183, %parallel_loop3A_189 : vector<16xi1>, vector<16xf32>
          %parallel_loop3A_191 = arith.constant 48 : i32
          %parallel_loop3A_192 = arith.muli %parallel_loop3A_159, %parallel_loop3A_191 : i32
          %parallel_loop3A_193 = arith.addi %add3A_155, %parallel_loop3A_192 : i32
          %parallel_loop3A_194 = arith.index_cast %parallel_loop3A_193 : i32 to index
          %parallel_loop3A_195 = tpu.vector_load %arg5[%parallel_loop3A_194] {strides = array<i32>} : memref<27648xf32, #tpu.memory_space<vmem>>, vector<16xf32>,
          tpu.vector_store %arg5[%parallel_loop3A_194], %parallel_loop3A_190 {add = true, strides = array<i32>} : memref<27648xf32, #tpu.memory_space<vmem>>, vector<16xf32>,
        } {sc.loop_unroll_factor = 14 : i64, sc.parallel_access}
      }
    }
    "tpu.region"() ({
      %run_scoped3A = tpu.sem_alloc : memref<!tpu.dma_semaphore, #tpu.memory_space<semaphore_mem>>
      %dma_start3A = arith.constant 0 : i32
      %dma_start3A_56 = tpu.memref_slice %arg3[%select_n3A, %select_n3A_30, %dma_start3A] : memref<8x4x27648xf32, #tpu.memory_space<hbm>> -> memref<1x1x27648xf32, #tpu.memory_space<hbm>>
      %dma_start3A_57 = tpu.memref_squeeze %dma_start3A_56 : memref<1x1x27648xf32, #tpu.memory_space<hbm>> -> memref<27648xf32, #tpu.memory_space<hbm>>
      %dma_start3A_58 = arith.constant 0 : i32
      %dma_start3A_59 = tpu.memref_slice %arg3[%select_n3A, %select_n3A_30, %dma_start3A_58] : memref<8x4x27648xf32, #tpu.memory_space<hbm>> -> memref<1x1x27648xf32, #tpu.memory_space<hbm>>
      %dma_start3A_60 = tpu.memref_squeeze %dma_start3A_59 : memref<1x1x27648xf32, #tpu.memory_space<hbm>> -> memref<27648xf32, #tpu.memory_space<hbm>>
      tpu.enqueue_dma source(%arg5 : memref<27648xf32, #tpu.memory_space<vmem>>) target(%dma_start3A_60 : memref<27648xf32, #tpu.memory_space<hbm>>) target_semaphore(%run_scoped3A : memref<!tpu.dma_semaphore, #tpu.memory_space<semaphore_mem>>)
      %dma_wait3A = arith.constant 0 : i32
      %dma_wait3A_61 = tpu.memref_slice %arg3[%select_n3A, %select_n3A_30, %dma_wait3A] : memref<8x4x27648xf32, #tpu.memory_space<hbm>> -> memref<1x1x27648xf32, #tpu.memory_space<hbm>>
      %dma_wait3A_62 = tpu.memref_squeeze %dma_wait3A_61 : memref<1x1x27648xf32, #tpu.memory_space<hbm>> -> memref<27648xf32, #tpu.memory_space<hbm>>
      %dma_wait3A_63 = arith.constant 0 : i32
      %dma_wait3A_64 = tpu.memref_slice %arg3[%select_n3A, %select_n3A_30, %dma_wait3A_63] : memref<8x4x27648xf32, #tpu.memory_space<hbm>> -> memref<1x1x27648xf32, #tpu.memory_space<hbm>>
      %dma_wait3A_65 = tpu.memref_squeeze %dma_wait3A_64 : memref<1x1x27648xf32, #tpu.memory_space<hbm>> -> memref<27648xf32, #tpu.memory_space<hbm>>
      tpu.wait_dma2 semaphore(%run_scoped3A : memref<!tpu.dma_semaphore, #tpu.memory_space<semaphore_mem>>) src(%arg5 : memref<27648xf32, #tpu.memory_space<vmem>>) dst(%dma_wait3A_65 : memref<27648xf32, #tpu.memory_space<hbm>>)
      tpu.yield
    }) : () -> ()
    return
  }
}

</mosaic_0001>

<sc_bundles>
// kernel: kernel.3.cloned.1.call-start
scs
__scs_entry_jumppad:
0x0: {  	(pc) =	sbr.rel $0x88, $3  }
0x1: {  	(tag) =	ssettag $0x0;
	lr =	simm.s32 $0x1  }
0x2: {  	[smem:$0x3F9F] =	sst lr;
	_ =	strace $0xD0000000  }
0x3: {  	_ = 	snop  }
0x4: {  	_ = 	snop  }
0x5: {  	_ = 	snop  }
0x6: {  	_ = 	snop  }
0x7: {  	_ = 	snop  }
__scs_overlays_trampoline_lowered:
0x8: {  	[smem:$0x3FAE] =	sst s0  }
0x9: {  	[smem:$0x3FAF] =	sst s1  }
0xa: {  	[smem:$0x3FB0] =	sst s2  }
0xb: {  	[smem:$0x3FB1] =	sst s3  }
0xc: {  	[smem:$0x3FB2] =	sst s4  }
0xd: {  	[smem:$0x3FB3] =	sst s5  }
0xe: {  	[smem:$0x3FB4] =	sst s6  }
0xf: {  	[smem:$0x3FB5] =	sst s7  }
0x10: {  	[smem:$0x3FB6] =	sst s8  }
0x11: {  	[smem:$0x3FB7] =	sst s9;
	s0 =	simm.s32 @!p0 $0x0  }
0x12: {  	s1 =	sld [smem:$0x3F9D];
	s0 =	simm.s32 @p0 $0x1  }
0x13: {  	[smem:$0x3FB8] =	sst s0;
	s0 =	simm.s32 @!p1 $0x0  }
0x14: {  	s2 =	sld [smem:$0x3F9C];
	s0 =	simm.s32 @p1 $0x1  }
0x15: {  	[smem:$0x3FB9] =	sst s0;
	s0 =	simm.s32 @!p2 $0x0  }
0x16: {  	s3 =	sld [smem:$0x3FDB];
	s0 =	simm.s32 @p2 $0x1  }
0x17: {  	s4 =	simm.s32 $0x1BF5;
	[smem:$0x3FBB] =	sst s0  }
0x18: {  	s0 =	sld [smem:$0x3F9E];
	_ =	swait.ge [sflag:s4], $0x0  }
0x19: {  	s7 =	sld [smem:$0x3F9F]  }
0x1a: {  	s8 =	sadd.s32 $0xFFFFE003, lr  }
0x1b: {  	s9 =	sadd.s32 $0xFFFFFEF7, lr;
	s5 =	simm.s32 $0xFFFFFFFF;
	p2 =	slt.u32 s8, $0xFFFFF086  }
0x1c: {  	p1 =	slt.u32 s9, $0xF7A;
	s5 =	simm.s32 @!p2 $0x0  }
0x1d: {  	s5 =	simm.s32 @p1 $0x1;
	p0 =	seq.s32 s7, s2  }
0x1e: {  	s7 =	smul.u32 @!p0 $0xF7A, s2;
	p2 =	seq.s32 @!p0 s5, $0x0  }
0x1f: {  	s9 =	smul.u32 $0xF7A, s1;
	s8 =	simm.s32 @!p0 $0x1BF5;
	p2 =	por !p2, p0  }
0x20: {  	[sflag:s8] =	ssyncset.s32 @!p0 $0xFFFFF086;
	s6 =	sadd.s32 @!p0 s3, s7;
	s7 =	simm.s32 @!p0 $0x108  }
0x21: {  	s3 =	sadd.s32 s3, s9;
	s6 =	sadd.s32 @!p0 $0x88, s6;
	s7 =	simm.s32 @p2 $0x1082  }
0x22: {  	[simem:s7], [sflag:s8] =	dma.local @!p0 [hbm:s6], $0xF7A  }
0x23: {  	s9 =	sor.u32 $0xD0000000, s2;
	s6 =	simm.s32 $0x108;
	_ =	swait.ge @!p0 [sflag:s8], $0x0  }
0x24: {  	s3 =	sadd.s32 $0x88, s3;
	s6 =	simm.s32 @!p1 $0x1082;
	[sflag:s4] =	ssyncset.s32 $0xFFFFF086  }
0x25: {  	[simem:s6], [sflag:s4] =	dma.local [hbm:s3], $0xF7A  }
0x26: {  	[smem:$0x3F9F] =	sst s1;
	(tag) =	ssettag s2;
	_ =	strace s9  }
0x27: {  	s1 =	sld [smem:$0x3FAF]  }
0x28: {  	s2 =	sld [smem:$0x3FB0]  }
0x29: {  	s4 =	sld [smem:$0x3FB2]  }
0x2a: {  	p0 =	seq.s32 s5, $0x0;
	s5 =	sld [smem:$0x3FB3]  }
0x2b: {  	s6 =	sld [smem:$0x3FB4]  }
0x2c: {  	s7 =	sld [smem:$0x3FB5]  }
0x2d: {  	s3 =	simm.s32 $0x108;
	s8 =	sld [smem:$0x3FB6]  }
0x2e: {  	s3 =	simm.s32 @!p0 $0x1082;
	s9 =	sld [smem:$0x3FB7]  }
0x2f: {  	lr =	sadd.s32 s0, s3;
	s0 =	sld [smem:$0x3FAE]  }
0x30: {  	s3 =	sld [smem:$0x3FB1]  }
0x31: {  	[smem:$0x3FBA] =	sst s10  }
0x32: {  	s10 =	sld [smem:$0x3FB8];
	_ =	sdelay $0x3  }
0x33: {  	p0 =	seq.s32 s10, $0x1;
	s10 =	sld [smem:$0x3FBA];
	_ =	sdelay $0x3  }
0x34: {  	[smem:$0x3FBA] =	sst s10  }
0x35: {  	s10 =	sld [smem:$0x3FB9];
	_ =	sdelay $0x3  }
0x36: {  	p1 =	seq.s32 s10, $0x1;
	s10 =	sld [smem:$0x3FBA];
	_ =	sdelay $0x3  }
0x37: {  	[smem:$0x3FBA] =	sst s10  }
0x38: {  	s10 =	sld [smem:$0x3FBB]  }
0x39: {  	_ = 	snop;
	(pc) =	sbr.ind lr, $3  }
0x3a: {  	_ = 	snop  }
0x3b: {  	_ = 	snop  }
0x3c: {  	p2 =	seq.s32 s10, $0x1;
	s10 =	sld [smem:$0x3FBA]  }
0x3d: {  	_ =	shalt  }
0x3e: {  	_ =	shalt  }
0x3f: {  	_ =	shalt  }
0x40: {  	_ =	shalt  }
0x41: {  	_ =	shalt  }
0x42: {  	_ =	shalt  }
0x43: {  	_ =	shalt  }
0x44: {  	_ =	shalt  }
0x45: {  	_ =	shalt  }
0x46: {  	_ =	shalt  }
0x47: {  	_ =	shalt  }
0x48: {  	_ =	shalt  }
0x49: {  	_ =	shalt  }
0x4a: {  	_ =	shalt  }
0x4b: {  	_ =	shalt  }
0x4c: {  	_ =	shalt  }
0x4d: {  	_ =	shalt  }
0x4e: {  	_ =	shalt  }
0x4f: {  	_ =	shalt  }
0x50: {  	_ =	shalt  }
0x51: {  	_ =	shalt  }
0x52: {  	_ =	shalt  }
0x53: {  	_ =	shalt  }
0x54: {  	_ =	shalt  }
0x55: {  	_ =	shalt  }
0x56: {  	_ =	shalt  }
0x57: {  	_ =	shalt  }
0x58: {  	_ =	shalt  }
0x59: {  	_ =	shalt  }
0x5a: {  	_ =	shalt  }
0x5b: {  	_ =	shalt  }
0x5c: {  	_ =	shalt  }
0x5d: {  	_ =	shalt  }
0x5e: {  	_ =	shalt  }
0x5f: {  	_ =	shalt  }
0x60: {  	_ =	shalt  }
0x61: {  	_ =	shalt  }
0x62: {  	_ =	shalt  }
0x63: {  	_ =	shalt  }
0x64: {  	_ =	shalt  }
0x65: {  	_ =	shalt  }
0x66: {  	_ =	shalt  }
0x67: {  	_ =	shalt  }
0x68: {  	_ =	shalt  }
0x69: {  	_ =	shalt  }
0x6a: {  	_ =	shalt  }
0x6b: {  	_ =	shalt  }
0x6c: {  	_ =	shalt  }
0x6d: {  	_ =	shalt  }
0x6e: {  	_ =	shalt  }
0x6f: {  	_ =	shalt  }
0x70: {  	_ =	shalt  }
0x71: {  	_ =	shalt  }
0x72: {  	_ =	shalt  }
0x73: {  	_ =	shalt  }
0x74: {  	_ =	shalt  }
0x75: {  	_ =	shalt  }
0x76: {  	_ =	shalt  }
0x77: {  	_ =	shalt  }
0x78: {  	_ =	shalt  }
0x79: {  	_ =	shalt  }
0x7a: {  	_ =	shalt  }
0x7b: {  	_ =	shalt  }
0x7c: {  	_ =	shalt  }
0x7d: {  	_ =	shalt  }
0x7e: {  	_ =	shalt  }
0x7f: {  	_ =	shalt  }
0x80: {  	_ =	shalt  }
0x81: {  	_ =	shalt  }
0x82: {  	_ =	shalt  }
0x83: {  	_ =	shalt  }
0x84: {  	_ =	shalt  }
0x85: {  	_ =	shalt  }
0x86: {  	_ =	shalt  }
0x87: {  	_ =	shalt  }
.Lfunc_end0:
.L_simem_size_0:
called_computation_lowered:
.L_overlay_start_0:
0x88: {  	s2 =	sld [smem:$0x3FD9]  }
0x89: {  	s3 =	sld [smem:$0x3FFE];
	_ =	sdelay $0x1  }
0x8a: {  	s1 =	srdreg.scid  }
0x8b: {  	s0 =	sand.u32 $0x1, s1  }
0x8c: {  	s17 =	sshll.u32 s0, $0xA;
	s2 =	sadd.s32 s3, s2  }
0x8d: {  	s2 =	sadd.s32 s2, s17  }
0x8e: {  	[smem:$0x3FC6] =	sst s2  }
0x8f: {  	_ = 	snop  }
0x90: {  	s2 =	sld [smem:$0x3FD0];
	(tm) =	ssettm $0x1  }
0x91: {  	s18 =	sld [smem:$0x3FFB];
	_ =	sdelay $0x3  }
0x92: {  	_ =	strace s18  }
0x93: {  	s3 =	sld [smem:$0x3FFC];
	_ =	sdelay $0x3  }
0x94: {  	_ =	strace s3  }
0x95: {  	s3 =	sld [smem:$0x3FFD];
	_ =	sdelay $0x3  }
0x96: {  	_ =	strace s3  }
0x97: {  	_ =	strace $0x8FFFFFFF  }
0x98: {  	s19 =	sld [smem:$0x3FDB];
	_ =	sdelay $0x1  }
0x99: {  	s4 =	simm.s32 $_scs_section_size  }
0x9a: {  	s5 =	simm.s32 $_size__tile_overlayer_lowered;
	s6 =	simm.s32 $_tile_overlayer_lowered  }
0x9b: {  	s22 =	simm.s32 $0x1BFF;
	s21 =	sshll.u32 s6, $0x1;
	s3 =	sadd.s32 s4, s19  }
0x9c: {  	s7 =	simm.s32 $0x0;
	s20 =	sshll.u32 s5, $0x1;
	s5 =	sadd.s32 s21, s3  }
0x9d: {  	[timem:s7], [sflag:s22] =	dma.local [hbm:s5], s20  }
0x9e: {  	_ =	swait.ge [sflag:s22], s20  }
0x9f: {  	s4 =	ssub.s32 $0x0, s20;
	[sflag:s22] =	ssyncset.done $0x0  }
0xa0: {  	[sflag:s22] =	ssyncadd.s32 s4;
	_ =	sdelay $0x1  }
0xa1: {  	s23 =	simm.s32 $0x1B8B  }
0xa2: {  	_ =	swait.ge [sflag:s23], $0x1  }
0xa3: {  	[sflag:s23] =	ssyncset.done $0x0  }
0xa4: {  	s25 =	simm.s32 $0x1B8E;
	s24 =	sld [smem:$0x3FFE];
	[sflag:s23] =	ssyncadd.s32 $0xFFFFFFFF  }
0xa5: {  	s26 =	simm.s32 $execute0_lowered;
	[smem:$0x3FD2] =	sst s25  }
0xa6: {  	s5 =	sshll.u32 s26, $0x1;
	_ =	strace $0x80000046;
	[dreg:$0x1] =	wrdreg $0xFFFFFFFF  }
0xa7: {  	s28 =	simm.s32 $_size_execute0_lowered;
	s3 =	sadd.s32 s3, s5;
	[dreg:$0x0] =	wrdreg $0x0  }
0xa8: {  	s5 =	sshll.u32 s28, $0x1;
	[dreg:$0x2] =	wrdreg s3  }
0xa9: {  	[dreg:$0x3] =	wrdreg s5  }
0xaa: {  	[dreg:$0x4] =	wrdreg $0xC0  }
0xab: {  	_ =	task [dreg:s7], $0x5FFFF  }
0xac: {  	[dreg:$0x1] =	wrdreg $0xFFFFFFFF  }
0xad: {  	[dreg:$0x0] =	wrdreg $0x60  }
0xae: {  	[dreg:$0x2] =	wrdreg s2  }
0xaf: {  	[dreg:$0x3] =	wrdreg s24  }
0xb0: {  	[dreg:$0x4] =	wrdreg $0x9  }
0xb1: {  	_ =	task.clear_ibuf [dreg:s7], $0x5FFFF;
	_ =	strace $0x90000046  }
0xb2: {  	s29 =	simm.s32 $0x9;
	_ =	strace $0x80000048  }
0xb3: {  	_ =	swait.ge [sflag:s29], $0x1  }
0xb4: {  	[sflag:s29] =	ssyncadd.s32 $0xFFFFFFFF  }
0xb5: {  	_ =	strace $0x90000048  }
0xb6: {  	_ =	sfence  }
0xb7: {  	s30 =	sld [smem:$0x0];
	_ =	sdelay $0x2  }
0xb8: {  	s31 =	sshll.u32 s1, $0xD;
	s1 =	sshrl.u32 s1, $0x2  }
0xb9: {  	s3 =	sand.u32 $0x4000, s31;
	s1 =	sadd.s32 s1, s30  }
0xba: {  	s0 =	sor.u32 s3, s0;
	s1 =	sshll.u32 s1, $0x11  }
0xbb: {  	s0 =	sor.u32 s1, s0  }
0xbc: {  	s0 =	sadd.s32 $0x8F2B, s0  }
0xbd: {  	[sflag:s0] =	ssyncadd.remote.s32 $0x1  }
0xbe: {  	_ =	sfence.sel $0xFFFF  }
0xbf: {  	[dreg:$0x0] =	wrdreg $0xFFFFFFFF;
	(pc) =	sbr.abs _section_cstart, $3  }
0xc0: {  	[dreg:$0x1] =	wrdreg $0xFFFFFFFF  }
0xc1: {  	_ =	task.clear_ibuf [dreg:s7], $0x2FFFF;
	_ =	strace $0x9FFFFFFF  }
0xc2: {  	(tm) =	ssettm $0x7FFFFFFF  }
0xc3: {  	_ =	shalt  }
tec
execute0_lowered:
.L_overlay_start_1:
0x0: {  	(tag) =	ssettag $0x1  }
0x1: {  	s0 =	stileid.u32;
	v0 =	vimm.s32 $0xEAC0;
	vm0 =	vcmask $0x300  }
0x2: {  	s1 =	srdreg.scid;
	vm5 =	vcmask $0x704;
	s8 =	rddreg [dreg:$0x1];
	v0 =	vsel vm0, $0x0, v0  }
0x3: {  	vm6 =	vcmask $0xB08;
	s3 =	simm.s32 $0x0;
	s13 =	simm.s32 $0xFE80;
	s14 =	simm.s32 $0x0;
	v0 =	vsel vm5, $0x1390, v0  }
0x4: {  	vm7 =	vcmask $0xF0C;
	s5 =	sand.u32 $0x1, s1;
	s6 =	sshrl.u32 s0, $0x1;
	s1 =	rddreg [dreg:$0x0];
	v0 =	vsel vm6, $0x2720, v0  }
0x5: {  	vm8 =	vcmask $0x1310;
	s2 =	sshll.u32 s0, $0x1;
	[smem:$0x7FF] =	sst s3;
	s7 =	smul.u32 $0x1B000, s6;
	v0 =	vsel vm7, $0x3AB0, v0  }
0x6: {  	vm9 =	vcmask $0x1714;
	s11 =	sand.u32 $0x1, s0;
	s2 =	sand.u32 $0x2, s2;
	s10 =	smul.u32 $0xFFFFFFF4, s5;
	v0 =	vsel vm8, $0x4E40, v0  }
0x7: {  	vm10 =	vcmask $0x1B18;
	s29 =	ssub.s32 $0x2, s5;
	s11 =	smul.u32 $0x18, s11;
	s4 =	sor.u32 s5, s2;
	v0 =	vsel vm9, $0x61D0, v0  }
0x8: {  	vm11 =	vcmask $0x1F1C;
	s2 =	rddreg [dreg:$0x2];
	s9 =	sshll.u32 s4, $0x7;
	s4 =	smul.u32 $0xC, s4;
	v1 =	vsel vm10, $0x7560, v0  }
.Ltmp0:
0x9: {  	vm12 =	vcmask $0x2320;
	vm13 =	vcmask $0x2724;
	s12 =	sshrl.u32 s29, $0x1;
	_ =	strace $0x80000047;
	v2 =	vsel vm11, $0x88F0, v1;
	(pc) =	sbr.rel .LBB2_1-.Ltmp0, $4  }
0xa: {  	vm14 =	vcmask $0x2B28;
	vm15 =	vcmask $0x2F2C;
	s31 =	ssub.s32 s29, s12;
	s12 =	simm.s32 $0x200;
	s7 =	sor.u32 s7, s9;
	v3 =	vsel vm12, $0x9C80, v2  }
0xb: {  	v5 =	vlaneseq.u32;
	s9 =	simm.s32 $0x1;
	s7 =	sshrl.u32 s7, $0x3;
	s5 =	sadd.s32 $0xC, s4;
	v0 =	vmov s6;
	v4 =	vsel vm13, $0xB010, v3  }
0xc: {  	s30 =	sadd.s32 s7, s8;
	s7 =	smax.u32 s31, $0x1;
	s8 =	ssub.s32 s10, s11;
	v1 =	vmov s5;
	v2 =	vmov s4;
	v6 =	vsel vm14, $0xC3A0, v4  }
0xd: {  	s10 =	simm.s32 $0x16A80;
	s11 =	simm.s32 $0x80;
	s6 =	sadd.s32 $0xC00, s30;
	v3 =	vimm.f32 $0.0e+00;
	v4 =	vimm.s32 $0x0;
	v6 =	vsel vm15, $0xD730, v6  }
.LBB2_13:
0xe: {  	s14 =	sadd.s32 $0x1, s14  }
0xf: {  	p0 =	sne.s32 s14, s7  }
.Ltmp1:
0x10: {  	_ = 	snop;
	(pc) =	sbr.rel @!p0 .LBB2_14-.Ltmp1, $4  }
0x11: {  	[hbm4b:s6+s11] =	stream.strided.scatter [tilespmem:s13], [sflag:$0x1], $0x6C00, s12, s11, $0x38;
	[tilespmem:$0x17F80] =	vst v63  }
0x12: {  	_ =	swait.ge [sflag:s9], $0x6C00  }
0x13: {  	[sflag:s9] =	ssyncset.done $0x0  }
0x14: {  	[sflag:s9] =	ssyncadd.s32 $0xFFFF9400  }
.LBB2_1:
0x15: {  	[tilespmem:s3], [sflag:$0x1] =	stream.linear.gather [hbm4b:s1+s3], $0xFE80, $0x38;
	[tilespmem:$0x17F80] =	vst v63  }
0x16: {  	_ =	swait.ge [sflag:s9], $0xFE80  }
0x17: {  	[sflag:s9] =	ssyncset.done $0x0  }
0x18: {  	s15 =	simm.s32 $0xFEC0;
	[sflag:s9] =	ssyncadd.s32 $0xFFFF0180  }
0x19: {  	[tilespmem:s15+$0xFFFFFFC0] =	vst v3  }
0x1a: {  	[tilespmem:s15+$0x30] =	vst v3  }
0x1b: {  	[tilespmem:s15+$0x20] =	vst v3  }
0x1c: {  	[tilespmem:s15+$0x10] =	vst v3  }
0x1d: {  	[tilespmem:s15+$0x0] =	vst v3  }
0x1e: {  	[tilespmem:s15+$0xFFFFFFF0] =	vst v3  }
0x1f: {  	s17 =	simm.s32 $0x0;
	s16 =	simm.s32 $0x1390;
	[tilespmem:s15+$0xFFFFFFE0] =	vst v3  }
.LBB2_2:
0x20: {  	s17 =	sadd.s32 $0x80, s17;
	[tilespmem:s15+$0xFFFFFFD0] =	vst v3;
	s15 =	sadd.s32 $0x80, s15  }
0x21: {  	[tilespmem:s15+$0xFFFFFFC0] =	vst v3;
	p0 =	slt.u32 s17, $0x6B80  }
0x22: {  	[tilespmem:s15+$0x30] =	vst v3  }
.Ltmp2:
0x23: {  	[tilespmem:s15+$0x20] =	vst v3;
	(pc) =	sbr.rel @p0 .LBB2_2-.Ltmp2, $4  }
0x24: {  	[tilespmem:s15+$0x10] =	vst v3  }
0x25: {  	[tilespmem:s15+$0x0] =	vst v3  }
0x26: {  	[tilespmem:s15+$0xFFFFFFF0] =	vst v3  }
0x27: {  	[tilespmem:s15+$0xFFFFFFE0] =	vst v3  }
0x28: {  	[tilespmem:s15+$0xFFFFFFD0] =	vst v3  }
0x29: {  	v7 =	vld [tilespmem:s16+$0xFFFFEC70]  }
0x2a: {  	v8 =	vld [tilespmem:s16+$0x0]  }
0x2b: {  	v9 =	vld [tilespmem:s16+$0x1390];
	_ =	sdelay $0x3  }
0x2c: {  	vm0 =	veq.s32 v7, v0;
	vm1 =	vlt.s32 v8, v1  }
0x2d: {  	vm15 =	vgt.s32 v9, v2;
	vm0 =	vmand vm0, vm1  }
0x2e: {  	vm0 =	vmand vm0, vm15  }
0x2f: {  	v7 =	vsel vm0, $0x1, v4  }
0x30: {  	(xrf0) =	vadd.scan.msk.s32 $0xffff, v7;
	_ =	sdelay $0x1  }
0x31: {  	s15 =	simm.s32 $0x0  }
0x32: {  	v7 =	vmov s15  }
0x33: {  	v7 =	vadd.s32 $0xFFFFFFFF, v7  }
0x34: {  	v7 =	vbroadcast v7, $0x0  }
0x35: {  	v8, _, _ =	vpop (xrf0)  }
0x36: {  	v7 =	vadd.s32 v8, v7;
	(v2sf) =	vpush v8, $0xF  }
0x37: {  	v7 =	vnsel vm0, $0x13A0, v7;
	_ =	sdelay $0x3  }
0x38: {  	v9 =	vor.u32 s15, v5  }
0x39: {  	s17 =	simm.s32 $0x13A0;
	[tilespmem:v7+s10+$0x0] =	vst.idx.msk $0xffff, v9  }
0x3a: {  	v7 =	vld [tilespmem:s17+$0xFFFFEC70]  }
0x3b: {  	s18 =	simm.s32 $0x20;
	s16 =	simm.s32 $0x10;
	v8 =	vld [tilespmem:s17+$0x0]  }
.LBB2_4:
0x3c: {  	p0 =	seq.s32 s18, $0x1380;
	v9 =	vld [tilespmem:s17+$0x1390];
	_ =	sdelay $0x3  }
0x3d: {  	vm0 =	veq.s32 v7, v0;
	vm1 =	vlt.s32 v8, v1  }
0x3e: {  	vm0 =	vmand vm0, vm1;
	vm1 =	vgt.s32 v9, v2  }
0x3f: {  	vm0 =	vmand vm0, vm1;
	s19 =	spop (v2sf)  }
0x40: {  	v7 =	vsel vm0, $0x1, v4;
	s15 =	sadd.s32 s15, s19  }
0x41: {  	v8 =	vmov s15;
	(xrf0) =	vadd.scan.msk.s32 $0xffff, v7  }
0x42: {  	v7 =	vadd.s32 $0xFFFFFFFF, v8  }
0x43: {  	v7 =	vbroadcast v7, $0x0;
	_ =	sdelay $0x3  }
0x44: {  	v8, _, _ =	vpop (xrf0)  }
0x45: {  	v7 =	vadd.s32 v8, v7;
	(v2sf) =	vpush v8, $0xF  }
0x46: {  	v7 =	vnsel vm0, $0x13A0, v7;
	_ =	sdelay $0x2  }
.Ltmp3:
0x47: {  	(pc) =	sbr.rel @!p0 .LBB2_4-.Ltmp3, $4  }
0x48: {  	v8 =	vor.u32 s16, v5;
	s16 =	smov.u32 s18  }
0x49: {  	s17 =	sadd.s32 $0x10, s17;
	[tilespmem:v7+s10+$0x0] =	vst.idx.msk $0xffff, v8  }
0x4a: {  	v7 =	vld [tilespmem:s17+$0xFFFFEC70]  }
0x4b: {  	s18 =	sadd.s32 $0x10, s18;
	v8 =	vld [tilespmem:s17+$0x0]  }
0x4c: {  	v9 =	vld [tilespmem:s17+$0x1390];
	_ =	sdelay $0x3  }
0x4d: {  	vm0 =	veq.s32 v7, v0;
	vm1 =	vlt.s32 v8, v1  }
0x4e: {  	vm0 =	vmand vm0, vm1;
	vm15 =	vgt.s32 v9, v2  }
0x4f: {  	vm0 =	vmand vm0, vm15  }
0x50: {  	v7 =	vsel vm0, $0x1, v4  }
0x51: {  	(xrf0) =	vadd.scan.msk.s32 $0xffff, v7;
	_ =	sdelay $0x5  }
0x52: {  	v7, _, _ =	vpop (xrf0)  }
0x53: {  	(v2sf) =	vpush v7, $0xF;
	_ =	sdelay $0x9  }
0x54: {  	s30 =	spop (v2sf)  }
0x55: {  	s15 =	sadd.s32 s15, s30  }
0x56: {  	v8 =	vmov s15  }
0x57: {  	v8 =	vadd.s32 $0xFFFFFFFF, v8  }
0x58: {  	v8 =	vbroadcast v8, $0x0  }
0x59: {  	s31 =	spop (v2sf)  }
0x5a: {  	v7 =	vadd.s32 v7, v8;
	s15 =	sadd.s32 s15, s31  }
0x5b: {  	v7 =	vnsel vm0, $0x13A0, v7;
	p0 =	sgt.s32 s15, $0x0  }
.Ltmp4:
0x5c: {  	_ = 	snop;
	(pc) =	sbr.rel @p0 .LBB2_6-.Ltmp4, $4  }
.Ltmp5:
0x5d: {  	_ = 	snop;
	(pc) =	sbr.rel @!p0 .LBB2_13-.Ltmp5, $4  }
0x5e: {  	_ = 	snop  }
0x5f: {  	v8 =	vor.u32 s16, v5  }
0x60: {  	s16 =	simm.s32 $0x0;
	[tilespmem:v7+s10+$0x0] =	vst.idx.msk $0xffff, v8  }
0x61: {  	_ = 	snop  }
.LBB2_11:
0x62: {  	[tilespmem:s19+$0xFFFFFFD0] =	vst.add.f32.msk $0xffff, v13;
	v7 =	vsel vm0, v15, v14  }
0x63: {  	[tilespmem:s19+$0x0] =	vst.add.f32.msk $0xffff, v7  }
.LBB2_12:
0x64: {  	s16 =	sadd.s32 $0x1, s16  }
0x65: {  	p0 =	sne.s32 s16, s15  }
.Ltmp6:
0x66: {  	_ = 	snop;
	(pc) =	sbr.rel @!p0 .LBB2_13-.Ltmp6, $1  }
0x67: {  	_ =	sdelay $0x3  }
.LBB2_6:
0x68: {  	v7 =	vld.msk [tilespmem:s16+$0x16A80 ss:$0x0], $0xffff;
	_ =	sdelay $0x4  }
0x69: {  	v7 =	vadd.s32 v6, v7;
	_ =	sdelay $0x4  }
0x6a: {  	v11 =	vld.idx.msk [tilespmem:v7+s3+$0x0], $0xffff;
	_ =	sdelay $0x4  }
0x6b: {  	(v2sf) =	vpush v11, $0x3;
	_ =	sdelay $0xe  }
0x6c: {  	s19 =	spop (v2sf);
	(v2sf) =	vpush v11, $0x4;
	_ =	sdelay $0x1  }
0x6d: {  	p0 =	slt.s32 s19, $0x22;
	s18 =	smov.u32 s19  }
0x6e: {  	s18 =	simm.s32 @!p0 $0x22  }
0x6f: {  	s17 =	sadd.s32 $0xFFFFFFFE, s18  }
0x70: {  	s24 =	sadd.s32 $0x2, s17;
	s26 =	sadd.s32 $0x3, s17  }
0x71: {  	v7 =	vmov s24;
	v8 =	vmov s26  }
0x72: {  	v7 =	vcvt.s32.f32 v7;
	v8 =	vcvt.s32.f32 v8  }
0x73: {  	s31 =	sadd.s32 $0x0, s18  }
0x74: {  	s21 =	sadd.s32 $0x2, s31;
	v9 =	vmul.f32 $5.000000000e-01, v7;
	v8 =	vmul.f32 $5.000000000e-01, v8  }
0x75: {  	s20 =	sadd.s32 $0x2, s18;
	s17 =	sadd.s32 $0x3, s31;
	v10 =	vmov s21;
	v7 =	vbroadcast v11, $0x8  }
0x76: {  	s23 =	sadd.s32 $0x2, s20;
	v12 =	vmov s17;
	v9 =	vbroadcast v9, $0x0;
	v8 =	vbroadcast v8, $0x0  }
0x77: {  	v13 =	vmov s23;
	v10 =	vcvt.s32.f32 v10;
	v12 =	vcvt.s32.f32 v12  }
0x78: {  	v13 =	vcvt.s32.f32 v13;
	v9 =	vsub.f32 v9, v7;
	v8 =	vsub.f32 v8, v7  }
0x79: {  	v10 =	vmul.f32 $5.000000000e-01, v10;
	v12 =	vmul.f32 $5.000000000e-01, v12  }
0x7a: {  	s20 =	sadd.s32 $0x3, s20;
	v9 =	vmul.f32 v9, v9;
	v8 =	vmul.f32 v8, v8;
	s22 =	spop (v2sf)  }
0x7b: {  	v14 =	vmov s20;
	v10 =	vbroadcast v10, $0x0;
	v12 =	vbroadcast v12, $0x0;
	p4 =	slt.s32 s24, s22;
	p5 =	slt.s32 s26, s22  }
0x7c: {  	p1 =	sge.s32 s24, s19;
	v14 =	vcvt.s32.f32 v14;
	v15 =	vpsel !p4, $0x4E6E6B28, v9;
	v16 =	vpsel !p5, $0x4E6E6B28, v8  }
0x7d: {  	s25 =	simm.s32 $0x17E90;
	p6 =	sge.s32 s26, s19;
	v9 =	vsub.f32 v10, v7;
	v8 =	vsub.f32 v12, v7;
	v10 =	vpsel !p1, $0x4E6E6B28, v15  }
0x7e: {  	s26 =	simm.s32 $0x4;
	s24 =	simm.s32 $0x17EB0;
	v12 =	vmul.f32 $5.000000000e-01, v13;
	v13 =	vmul.f32 $5.000000000e-01, v14;
	[tilespmem:s25+$0xFFFFFFF0] =	vst v10;
	v10 =	vpsel !p6, $0x4E6E6B28, v16  }
.LBB2_7:
0x7f: {  	s28 =	sadd.s32 s26, s18;
	s26 =	sadd.s32 $0x2, s26  }
0x80: {  	p1 =	slt.s32 s21, s22;
	v9 =	vmul.f32 v9, v9;
	v8 =	vmul.f32 v8, v8;
	[tilespmem:s25+$0x0] =	vst v10;
	p0 =	slt.u32 s26, $0xC  }
.Ltmp7:
0x81: {  	s29 =	sadd.s32 $0x2, s28;
	s28 =	sadd.s32 $0x3, s28;
	v10 =	vbroadcast v12, $0x0;
	v12 =	vbroadcast v13, $0x0;
	(pc) =	sbr.rel @p0 .LBB2_7-.Ltmp7, $4  }
0x82: {  	s25 =	smov.u32 s24;
	v13 =	vmov s29;
	v14 =	vmov s28;
	v15 =	vpsel !p1, $0x4E6E6B28, v9;
	p1 =	slt.s32 s17, s22  }
0x83: {  	p2 =	sge.s32 s21, s19;
	s21 =	smov.u32 s23;
	s23 =	smov.u32 s29;
	v13 =	vcvt.s32.f32 v13;
	v14 =	vcvt.s32.f32 v14;
	v16 =	vpsel !p1, $0x4E6E6B28, v8  }
0x84: {  	v9 =	vsub.f32 v10, v7;
	v8 =	vsub.f32 v12, v7;
	v10 =	vpsel !p2, $0x4E6E6B28, v15;
	p1 =	sge.s32 s17, s19;
	s17 =	smov.u32 s20;
	s20 =	smov.u32 s28  }
0x85: {  	s24 =	sadd.s32 $0x20, s24;
	v12 =	vmul.f32 $5.000000000e-01, v13;
	v13 =	vmul.f32 $5.000000000e-01, v14;
	[tilespmem:s25+$0xFFFFFFF0] =	vst v10;
	v10 =	vpsel !p1, $0x4E6E6B28, v16  }
0x86: {  	(v2sf) =	vpush v11, $0x1  }
0x87: {  	(v2sf) =	vpush v11, $0x2;
	_ =	sdelay $0x8  }
0x88: {  	(v2sf) =	vpush v11, $0x5;
	_ =	sdelay $0x3  }
0x89: {  	v9 =	vmul.f32 v9, v9;
	p0 =	slt.s32 s21, s22  }
0x8a: {  	p1 =	sge.s32 s21, s19;
	p5 =	slt.s32 s17, s22;
	s26 =	spop (v2sf)  }
0x8b: {  	p2 =	sge.s32 s17, s19;
	s21 =	smov.u32 s4;
	v12 =	vbroadcast v12, $0x0;
	v9 =	vpsel !p0, $0x4E6E6B28, v9;
	s28 =	spop (v2sf)  }
0x8c: {  	s17 =	smov.u32 s5;
	v13 =	vbroadcast v13, $0x0;
	v9 =	vpsel !p1, $0x4E6E6B28, v9;
	p3 =	sgt.s32 s26, s4;
	p1 =	slt.s32 s28, s5  }
0x8d: {  	v12 =	vsub.f32 v12, v7;
	s21 =	smov.u32 @p3 s26;
	s17 =	smov.u32 @p1 s28  }
0x8e: {  	v8 =	vmul.f32 v8, v8;
	v7 =	vsub.f32 v13, v7;
	s31 =	ssub.s32 s17, s21  }
0x8f: {  	v12 =	vmul.f32 v12, v12;
	p0 =	slt.s32 s31, $0x1  }
.Ltmp8:
0x90: {  	[tilespmem:s25+$0x0] =	vst v10;
	p6 =	slt.s32 s23, s22;
	v8 =	vpsel !p5, $0x4E6E6B28, v8;
	v7 =	vmul.f32 v7, v7;
	(pc) =	sbr.rel @p0 .LBB2_12-.Ltmp8, $4  }
0x91: {  	p4 =	slt.s32 s20, s22;
	p5 =	sge.s32 s23, s19;
	v8 =	vpsel !p2, $0x4E6E6B28, v8;
	[tilespmem:s24+$0xFFFFFFF0] =	vst v9;
	v9 =	vpsel !p6, $0x4E6E6B28, v12  }
0x92: {  	s30 =	sadd.s32 $0x20, s24;
	[tilespmem:s24+$0x0] =	vst v8;
	v7 =	vpsel !p4, $0x4E6E6B28, v7;
	p6 =	sge.s32 s20, s19;
	v8 =	vpsel !p5, $0x4E6E6B28, v9  }
0x93: {  	v7 =	vpsel !p6, $0x4E6E6B28, v7;
	[tilespmem:s30+$0xFFFFFFF0] =	vst v8  }
0x94: {  	[tilespmem:s30+$0x0] =	vst v7;
	s20 =	spop (v2sf)  }
0x95: {  	p0 =	slt.s32 s20, $0x20  }
0x96: {  	v7 =	vmov s21;
	s20 =	simm.s32 @!p0 $0x20  }
0x97: {  	v7 =	vcvt.s32.f32 v7;
	v8 =	vadd.s32 s20, v5  }
0x98: {  	v9 =	vcvt.s32.f32 v8  }
0x99: {  	v10 =	vmul.f32 $5.000000000e-01, v7  }
0x9a: {  	v12 =	vbroadcast v11, $0x9;
	v9 =	vmul.f32 $5.000000000e-01, v9  }
0x9b: {  	v21 =	vld [tilespmem:$0x17EB0];
	v7 =	vbroadcast v11, $0x7;
	v10 =	vbroadcast v10, $0x0  }
0x9c: {  	v13 =	vbroadcast v11, $0x5;
	v14 =	vbroadcast v11, $0x6;
	v25 =	vld [tilespmem:$0x17EC0];
	v9 =	vsub.f32 v9, v12  }
0x9d: {  	v10 =	vsub.f32 v10, v7;
	v12 =	vld [tilespmem:$0x17E90]  }
0x9e: {  	vm0 =	vge.s32 v8, v13;
	vm1 =	vlt.s32 v8, v14;
	v8 =	vmul.f32 v9, v9;
	v9 =	vld [tilespmem:$0x17E80]  }
0x9f: {  	v59 =	vld [tilespmem:$0x17ED0];
	vm0 =	vmand vm0, vm1;
	v10 =	vmul.f32 v10, v10  }
0xa0: {  	v29 =	vld [tilespmem:$0x17EE0];
	v8 =	vnsel vm0, $0x4E6E6B28, v8  }
0xa1: {  	v13 =	vadd.f32 v10, v8;
	_ =	sdelay $0x1  }
0xa2: {  	v14 =	vadd.f32 v9, v13;
	v17 =	vadd.f32 v12, v13  }
0xa3: {  	v21 =	vadd.f32 v21, v13;
	v56 =	vadd.f32 v25, v13  }
0xa4: {  	v63 =	vadd.f32 v59, v13;
	v34 =	vadd.f32 v29, v13  }
0xa5: {  	v9 =	vshrl.u32 v14, $0x1;
	v10 =	vmul.f32 $5.000000000e-01, v14;
	v20 =	vmul.f32 $5.000000000e-01, v17  }
0xa6: {  	v19 =	vshrl.u32 v17, $0x1;
	v24 =	vmul.f32 $5.000000000e-01, v21;
	v58 =	vmul.f32 $5.000000000e-01, v56  }
0xa7: {  	v36 =	vld [tilespmem:$0x17EF0];
	v32 =	vshrl.u32 v63, $0x1;
	v26 =	vmul.f32 $5.000000000e-01, v63;
	v15 =	vsub.s32 $0x5F3759DF, v9  }
0xa8: {  	v38 =	vmul.f32 $5.000000000e-01, v34;
	v19 =	vsub.s32 $0x5F3759DF, v19;
	v9 =	vmul.f32 v15, v10  }
0xa9: {  	v33 =	vsub.s32 $0x5F3759DF, v32;
	v10 =	vbroadcast v11, $0xA;
	v20 =	vmul.f32 v19, v20  }
0xaa: {  	v25 =	vmul.f32 v33, v26;
	v16 =	vmul.f32 v15, v9  }
0xab: {  	v9 =	vbroadcast v11, $0xB;
	v11 =	vbroadcast v11, $0xC  }
0xac: {  	v20 =	vmul.f32 v19, v20;
	v35 =	vmul.f32 v33, v25;
	v25 =	vadd.f32 v36, v13  }
0xad: {  	v12 =	vsub.f32 $1.500000000e+00, v16;
	v18 =	vmul.f32 v14, v9;
	v47 =	vmul.f32 v17, v9  }
0xae: {  	v16 =	vld [tilespmem:$0x17EA0];
	v31 =	vmul.f32 v56, v9;
	v28 =	vmul.f32 v63, v9  }
0xaf: {  	v20 =	vsub.f32 $1.500000000e+00, v20;
	v42 =	vmul.f32 $5.000000000e-01, v25;
	v15 =	vmul.f32 v15, v12  }
0xb0: {  	v29 =	vmul.f32 v34, v9;
	v18 =	vmul.f32 $1.442695020e+00, v18  }
0xb1: {  	v19 =	vmul.f32 v19, v20;
	v15 =	vmul.f32 v15, v14  }
0xb2: {  	v52 =	vshrl.u32 v21, $0x1;
	(erf) = vpow2.f32 v18;
	v18 =	vmul.f32 $1.442695020e+00, v47  }
0xb3: {  	v12 =	vmul.f32 $2.250000000e+00, v10;
	v49 =	vmul.f32 v19, v17;
	v16 =	vadd.f32 v16, v13  }
0xb4: {  	v57 =	vshrl.u32 v56, $0x1;
	v15 =	vmul.f32 v15, v11;
	(erf) = vpow2.f32 v18  }
0xb5: {  	v18 =	vmul.f32 v49, v11;
	v22 =	vshrl.u32 v16, $0x1;
	v23 =	vmul.f32 $5.000000000e-01, v16  }
0xb6: {  	v51 =	vmul.f32 v16, v9;
	v15 =	vadd.f32 $-1.103638290e+00, v15;
	v22 =	vsub.s32 $0x5F3759DF, v22  }
0xb7: {  	v39 =	vmul.f32 $1.442695020e+00, v28;
	v18 =	vadd.f32 $-1.103638290e+00, v18;
	v48 =	vmul.f32 v22, v23  }
0xb8: {  	v23 =	vsub.s32 $0x5F3759DF, v52;
	v20 =	vmul.f32 $1.442695020e+00, v51;
	v15 =	vmul.f32 v15, v15  }
0xb9: {  	vm1 =	vlt.f32 v14, v10;
	v24 =	vmul.f32 v23, v24;
	v18 =	vmul.f32 v18, v18  }
0xba: {  	vm0 =	vlt.f32 v14, v12;
	v50 =	vmul.f32 v22, v48;
	(erf) = vpow2.f32 v20  }
0xbb: {  	v14 =	vnsel vm0, $0x0, v15;
	v54 =	vmul.f32 v23, v24;
	vm0 =	vlt.f32 v17, v10  }
0xbc: {  	v24 =	vmul.f32 $1.442695020e+00, v31;
	v19 =	vsub.f32 $1.500000000e+00, v50;
	v53 =	vpop (erf);
	v50 =	vmul.f32 $1.442695020e+00, v29  }
0xbd: {  	v51 =	vld [tilespmem:$0x17F10];
	v14 =	vsel vm1, v53, v14;
	v55 =	vsub.f32 $1.500000000e+00, v54;
	vm1 =	vlt.f32 v17, v12  }
0xbe: {  	v17 =	vmul.f32 v21, v9;
	v15 =	vmul.f32 v22, v19;
	v22 =	vsub.s32 $0x5F3759DF, v57  }
0xbf: {  	v59 =	vld [tilespmem:$0x17F20];
	v19 =	vmul.f32 v23, v55;
	v23 =	vmul.f32 v22, v58  }
0xc0: {  	v37 =	vshrl.u32 v34, $0x1;
	v17 =	vmul.f32 $1.442695020e+00, v17;
	v15 =	vmul.f32 v15, v16  }
0xc1: {  	v41 =	vshrl.u32 v25, $0x1;
	v19 =	vmul.f32 v19, v21;
	v62 =	vmul.f32 v22, v23  }
0xc2: {  	v18 =	vnsel vm1, $0x0, v18;
	v57 =	vadd.f32 v51, v13;
	v15 =	vmul.f32 v15, v11  }
0xc3: {  	(erf) = vpow2.f32 v17;
	v17 =	vmul.f32 v19, v11;
	v19 =	vsub.f32 $1.500000000e+00, v62  }
0xc4: {  	vm1 =	vlt.f32 v16, v10;
	v62 =	vadd.f32 v59, v13;
	v60 =	vadd.f32 $-1.103638290e+00, v15  }
0xc5: {  	v58 =	vmul.f32 v25, v9;
	v17 =	vadd.f32 $-1.103638290e+00, v17;
	v19 =	vmul.f32 v22, v19  }
0xc6: {  	v22 =	vsub.s32 $0x5F3759DF, v41;
	v36 =	vshrl.u32 v62, $0x1;
	v61 =	vmul.f32 v60, v60  }
0xc7: {  	v15 =	vpop (erf);
	v47 =	vmul.f32 v22, v42;
	v60 =	vshrl.u32 v57, $0x1;
	v42 =	vmul.f32 v62, v9  }
0xc8: {  	v15 =	vsel vm0, v15, v18;
	vm0 =	vlt.f32 v16, v12;
	v17 =	vmul.f32 v17, v17  }
0xc9: {  	v30 =	vpop (erf);
	v19 =	vmul.f32 v19, v56;
	(erf) = vpow2.f32 v24;
	v18 =	vsub.f32 $1.500000000e+00, v35  }
0xca: {  	v24 =	vsub.s32 $0x5F3759DF, v37;
	v29 =	vsub.s32 $0x5F3759DF, v60;
	v37 =	vmul.f32 $5.000000000e-01, v62  }
0xcb: {  	v16 =	vnsel vm0, $0x0, v61;
	vm0 =	vlt.f32 v21, v10;
	v26 =	vmul.f32 v24, v38  }
0xcc: {  	v20 =	vmul.f32 v22, v47;
	v16 =	vsel vm1, v30, v16;
	v19 =	vmul.f32 v19, v11  }
0xcd: {  	v43 =	vld [tilespmem:$0x17F00];
	vm1 =	vlt.f32 v21, v12;
	v18 =	vmul.f32 v33, v18;
	v30 =	vmul.f32 $5.000000000e-01, v57  }
0xce: {  	v21 =	vmul.f32 $1.442695020e+00, v58;
	v33 =	vmul.f32 v57, v9;
	v17 =	vnsel vm1, $0x0, v17  }
0xcf: {  	v27 =	vpop (erf);
	v26 =	vmul.f32 v24, v26;
	vm1 =	vlt.f32 v56, v12;
	(erf) = vpow2.f32 v39  }
0xd0: {  	v20 =	vsub.f32 $1.500000000e+00, v20;
	v17 =	vsel vm0, v27, v17;
	v19 =	vadd.f32 $-1.103638290e+00, v19  }
0xd1: {  	v32 =	vld [tilespmem:$0x17F30];
	vm0 =	vlt.f32 v56, v10;
	v18 =	vmul.f32 v18, v63;
	v30 =	vmul.f32 v29, v30  }
0xd2: {  	v27 =	vadd.f32 v43, v13;
	v39 =	vmul.f32 $1.442695020e+00, v33;
	v20 =	vmul.f32 v22, v20  }
0xd3: {  	v40 =	vsub.f32 $1.500000000e+00, v26;
	v19 =	vmul.f32 v19, v19;
	v44 =	vmul.f32 v18, v11  }
0xd4: {  	v52 =	vshrl.u32 v27, $0x1;
	v53 =	vmul.f32 $5.000000000e-01, v27;
	v61 =	vmul.f32 v29, v30  }
0xd5: {  	v30 =	vsub.s32 $0x5F3759DF, v36;
	v46 =	vmul.f32 v24, v40;
	v54 =	vsub.s32 $0x5F3759DF, v52  }
0xd6: {  	v20 =	vmul.f32 v20, v25;
	v38 =	vmul.f32 v30, v37;
	v40 =	vadd.f32 v32, v13  }
0xd7: {  	v45 =	vnsel vm1, $0x0, v19;
	v49 =	vadd.f32 $-1.103638290e+00, v44;
	v56 =	vmul.f32 v54, v53  }
0xd8: {  	vm1 =	vlt.f32 v63, v12;
	v48 =	vpop (erf);
	v19 =	vmul.f32 v46, v34;
	(erf) = vpow2.f32 v50  }
0xd9: {  	v20 =	vmul.f32 v20, v11;
	v32 =	vshrl.u32 v40, $0x1;
	v43 =	vmul.f32 $5.000000000e-01, v40  }
0xda: {  	v18 =	vsel vm0, v48, v45;
	vm0 =	vlt.f32 v63, v10;
	v24 =	vmul.f32 v49, v49  }
0xdb: {  	v63 =	vmul.f32 v27, v9;
	v44 =	vsub.s32 $0x5F3759DF, v32;
	v45 =	vmul.f32 v40, v9  }
0xdc: {  	v19 =	vmul.f32 v19, v11;
	v20 =	vadd.f32 $-1.103638290e+00, v20;
	v32 =	vmul.f32 v44, v43  }
0xdd: {  	v23 =	vnsel vm1, $0x0, v24;
	vm1 =	vlt.f32 v34, v12;
	v24 =	vmul.f32 v54, v56  }
0xde: {  	v55 =	vpop (erf);
	(erf) = vpow2.f32 v21;
	v21 =	vsub.f32 $1.500000000e+00, v61;
	v28 =	vmul.f32 $1.442695020e+00, v63  }
0xdf: {  	v41 =	vld [tilespmem:$0x17F40];
	v52 =	vmul.f32 $1.442695020e+00, v45;
	v19 =	vadd.f32 $-1.103638290e+00, v19;
	v23 =	vsel vm0, v55, v23  }
0xe0: {  	vm0 =	vlt.f32 v34, v10;
	v20 =	vmul.f32 v20, v20;
	v34 =	vld [tilespmem:$0x17F50];
	v24 =	vsub.f32 $1.500000000e+00, v24  }
0xe1: {  	v21 =	vmul.f32 v29, v21;
	v19 =	vmul.f32 v19, v19  }
0xe2: {  	vm2 =	vlt.f32 v57, v12;
	v32 =	vmul.f32 v44, v32;
	v22 =	vmul.f32 v54, v24  }
0xe3: {  	v29 =	vmul.f32 $1.442695020e+00, v42;
	v21 =	vmul.f32 v21, v57;
	v19 =	vnsel vm1, $0x0, v19  }
0xe4: {  	vm1 =	vlt.f32 v25, v12;
	v31 =	vpop (erf);
	v22 =	vmul.f32 v22, v27;
	(erf) = vpow2.f32 v28  }
0xe5: {  	v21 =	vmul.f32 v21, v11;
	v28 =	vadd.f32 v41, v13;
	v46 =	vadd.f32 v34, v13  }
0xe6: {  	v19 =	vsel vm0, v31, v19;
	vm0 =	vlt.f32 v25, v10;
	v25 =	vmul.f32 v30, v38  }
0xe7: {  	v13 =	vsub.f32 $1.500000000e+00, v32;
	(erf) = vpow2.f32 v39;
	v22 =	vmul.f32 v22, v11  }
0xe8: {  	v21 =	vadd.f32 $-1.103638290e+00, v21;
	(erf) = vpow2.f32 v29;
	v48 =	vmul.f32 $5.000000000e-01, v28  }
0xe9: {  	v47 =	vshrl.u32 v28, $0x1;
	v36 =	vmul.f32 $5.000000000e-01, v46;
	v13 =	vmul.f32 v44, v13  }
0xea: {  	v49 =	vshrl.u32 v46, $0x1;
	v54 =	vmul.f32 v28, v9;
	v55 =	vmul.f32 v46, v9  }
0xeb: {  	s19 =	sadd.s32 s21, s8;
	v25 =	vsub.f32 $1.500000000e+00, v25;
	v35 =	vpop (erf);
	v51 =	vsub.s32 $0x5F3759DF, v49;
	(erf) = vpow2.f32 v52  }
0xec: {  	s19 =	smul.u32 $0x900, s19;
	v32 =	vsub.s32 $0x5F3759DF, v47;
	v21 =	vmul.f32 v21, v21;
	v53 =	vmul.f32 v51, v36  }
0xed: {  	s22 =	smul.u32 $0x30, s18;
	v22 =	vadd.f32 $-1.103638290e+00, v22;
	v50 =	vmul.f32 v32, v48;
	v13 =	vmul.f32 v13, v40  }
0xee: {  	s29 =	sadd.s32 s19, s20;
	v20 =	vnsel vm1, $0x0, v20;
	v25 =	vmul.f32 v30, v25;
	v29 =	vmul.f32 v51, v53  }
0xef: {  	s18 =	sadd.s32 s22, s29;
	vm1 =	vlt.f32 v27, v12;
	v22 =	vmul.f32 v22, v22;
	v30 =	vmul.f32 v32, v50  }
0xf0: {  	s30 =	sshll.u32 s18, $0x2;
	v56 =	vmul.f32 $1.442695020e+00, v54;
	v13 =	vmul.f32 v13, v11;
	v29 =	vsub.f32 $1.500000000e+00, v29  }
0xf1: {  	s19 =	sshra.s32 s30, $0x2;
	v25 =	vmul.f32 v25, v62;
	v22 =	vnsel vm1, $0x0, v22;
	v30 =	vsub.f32 $1.500000000e+00, v30  }
0xf2: {  	s19 =	sadd.s32 $0x100F0, s19;
	vm1 =	vlt.f32 v57, v10;
	v57 =	vmul.f32 $1.442695020e+00, v55;
	v59 =	vmul.f32 v51, v29  }
0xf3: {  	[tilespmem:s19+$0xFFFFFD90] =	vst.add.f32.msk $0xffff, v14;
	v20 =	vsel vm0, v35, v20;
	v25 =	vmul.f32 v25, v11;
	v14 =	vmul.f32 v32, v30  }
0xf4: {  	[tilespmem:s19+$0xFFFFFDC0] =	vst.add.f32.msk $0xffff, v15;
	v15 =	vnsel vm2, $0x0, v21;
	v58 =	vpop (erf);
	(erf) = vpow2.f32 v56;
	v21 =	vmul.f32 v59, v46  }
0xf5: {  	[tilespmem:s19+$0xFFFFFDF0] =	vst.add.f32.msk $0xffff, v16;
	v60 =	vpop (erf);
	(erf) = vpow2.f32 v57;
	v16 =	vadd.f32 $-1.103638290e+00, v25;
	v14 =	vmul.f32 v14, v28  }
0xf6: {  	[tilespmem:s19+$0xFFFFFE20] =	vst.add.f32.msk $0xffff, v17;
	vm0 =	vlt.f32 v27, v10;
	v13 =	vadd.f32 $-1.103638290e+00, v13;
	v61 =	vmul.f32 v21, v11  }
0xf7: {  	[tilespmem:s19+$0xFFFFFE50] =	vst.add.f32.msk $0xffff, v18;
	v17 =	vsel vm0, v58, v22;
	v16 =	vmul.f32 v16, v16;
	v14 =	vmul.f32 v14, v11  }
0xf8: {  	s21 =	sadd.s32 $0x1, s21;
	[tilespmem:s19+$0xFFFFFE80] =	vst.add.f32.msk $0xffff, v23;
	v15 =	vsel vm1, v60, v15;
	vm1 =	vlt.f32 v62, v12;
	v18 =	vadd.f32 $-1.103638290e+00, v61  }
0xf9: {  	p0 =	sne.s32 s17, s21;
	s20 =	sadd.s32 s20, s22;
	[tilespmem:s19+$0xFFFFFEB0] =	vst.add.f32.msk $0xffff, v19;
	vm0 =	vlt.f32 v62, v10;
	v62 =	vpop (erf);
	v16 =	vnsel vm1, $0x0, v16;
	v14 =	vadd.f32 $-1.103638290e+00, v14  }
.Ltmp9:
0xfa: {  	s20 =	sand.u32 $0x7F, s20;
	s31 =	sand.u32 $0xFFFFFF80, s18;
	v13 =	vmul.f32 v13, v13;
	[tilespmem:s19+$0xFFFFFF40] =	vst.add.f32.msk $0xffff, v15;
	v16 =	vsel vm0, v62, v16;
	v15 =	vmul.f32 v18, v18;
	(pc) =	sbr.rel @!p0 .LBB2_11-.Ltmp9, $4  }
0xfb: {  	s22 =	sor.u32 s20, s31;
	[tilespmem:s19+$0xFFFFFEE0] =	vst.add.f32.msk $0xffff, v20;
	vm2 =	vlt.f32 v46, v12;
	vm0 =	vlt.f32 v40, v12;
	v14 =	vmul.f32 v14, v14  }
0xfc: {  	[tilespmem:s22+$0x10000] =	vst.add.f32.msk $0xffff, v17;
	v63 =	vpop (erf);
	vm1 =	vlt.f32 v40, v10;
	v13 =	vnsel vm0, $0x0, v13;
	vm0 =	vlt.f32 v28, v12  }
0xfd: {  	[tilespmem:s19+$0xFFFFFF70] =	vst.add.f32.msk $0xffff, v16;
	v13 =	vsel vm1, v63, v13;
	vm1 =	vlt.f32 v28, v10;
	v16 =	vpop (erf);
	v14 =	vnsel vm0, $0x0, v14  }
0xfe: {  	[tilespmem:s19+$0xFFFFFFA0] =	vst.add.f32.msk $0xffff, v13;
	vm0 =	vlt.f32 v46, v10;
	v13 =	vsel vm1, v16, v14;
	v14 =	vnsel vm2, $0x0, v15;
	v15 =	vpop (erf)  }
.LBB2_10:
0xff: {  	v16 =	vmov s21;
	[tilespmem:s19+$0xFFFFFFD0] =	vst.add.f32.msk $0xffff, v13;
	v13 =	vsel vm0, v15, v14  }
0x100: {  	v14 =	vcvt.s32.f32 v16;
	[tilespmem:s19+$0x0] =	vst.add.f32.msk $0xffff, v13;
	_ =	sdelay $0x1  }
0x101: {  	v13 =	vmul.f32 $5.000000000e-01, v14;
	_ =	sdelay $0x1  }
0x102: {  	v13 =	vbroadcast v13, $0x0;
	_ =	sdelay $0x1  }
0x103: {  	v13 =	vsub.f32 v13, v7  }
0x104: {  	v14 =	vld [tilespmem:$0x17E80]  }
0x105: {  	v13 =	vmul.f32 v13, v13;
	_ =	sdelay $0x1  }
0x106: {  	v13 =	vadd.f32 v13, v8;
	_ =	sdelay $0x1  }
0x107: {  	v14 =	vadd.f32 v14, v13;
	_ =	sdelay $0x1  }
0x108: {  	v15 =	vshrl.u32 v14, $0x1;
	v16 =	vmul.f32 $5.000000000e-01, v14;
	v17 =	vld [tilespmem:$0x17E90]  }
0x109: {  	v15 =	vsub.s32 $0x5F3759DF, v15  }
0x10a: {  	v16 =	vmul.f32 v15, v16;
	_ =	sdelay $0x1  }
0x10b: {  	v16 =	vmul.f32 v15, v16  }
0x10c: {  	v17 =	vadd.f32 v17, v13  }
0x10d: {  	v16 =	vsub.f32 $1.500000000e+00, v16;
	v18 =	vld [tilespmem:$0x17EA0]  }
0x10e: {  	v19 =	vmul.f32 v14, v9;
	v20 =	vshrl.u32 v17, $0x1;
	v21 =	vmul.f32 $5.000000000e-01, v17  }
0x10f: {  	v15 =	vmul.f32 v15, v16;
	v16 =	vsub.s32 $0x5F3759DF, v20  }
0x110: {  	v19 =	vmul.f32 $1.442695020e+00, v19;
	v20 =	vmul.f32 v16, v21  }
0x111: {  	v15 =	vmul.f32 v15, v14  }
0x112: {  	v20 =	vmul.f32 v16, v20;
	v18 =	vadd.f32 v18, v13;
	v21 =	vld [tilespmem:$0x17EB0];
	(erf) = vpow2.f32 v19  }
0x113: {  	v19 =	vmul.f32 v17, v9;
	v15 =	vmul.f32 v15, v11  }
0x114: {  	v20 =	vsub.f32 $1.500000000e+00, v20;
	v22 =	vshrl.u32 v18, $0x1;
	v23 =	vmul.f32 $5.000000000e-01, v18  }
0x115: {  	v19 =	vmul.f32 $1.442695020e+00, v19;
	v15 =	vadd.f32 $-1.103638290e+00, v15;
	v22 =	vsub.s32 $0x5F3759DF, v22  }
0x116: {  	v16 =	vmul.f32 v16, v20;
	v20 =	vmul.f32 v22, v23  }
0x117: {  	v15 =	vmul.f32 v15, v15;
	v21 =	vadd.f32 v21, v13;
	(erf) = vpow2.f32 v19  }
0x118: {  	v16 =	vmul.f32 v16, v17;
	v19 =	vmul.f32 v22, v20  }
0x119: {  	v20 =	vmul.f32 v18, v9;
	v23 =	vshrl.u32 v21, $0x1;
	v24 =	vmul.f32 $5.000000000e-01, v21  }
0x11a: {  	v16 =	vmul.f32 v16, v11;
	v19 =	vsub.f32 $1.500000000e+00, v19;
	v23 =	vsub.s32 $0x5F3759DF, v23;
	v25 =	vld [tilespmem:$0x17EC0]  }
0x11b: {  	vm0 =	vlt.f32 v14, v12;
	v20 =	vmul.f32 $1.442695020e+00, v20;
	v24 =	vmul.f32 v23, v24;
	v26 =	vpop (erf)  }
0x11c: {  	vm1 =	vlt.f32 v14, v10;
	v14 =	vnsel vm0, $0x0, v15;
	v15 =	vmul.f32 v22, v19  }
0x11d: {  	v16 =	vadd.f32 $-1.103638290e+00, v16;
	v19 =	vmul.f32 v23, v24;
	(erf) = vpow2.f32 v20  }
0x11e: {  	vm0 =	vlt.f32 v17, v10;
	v14 =	vsel vm1, v26, v14;
	v15 =	vmul.f32 v15, v18  }
0x11f: {  	v16 =	vmul.f32 v16, v16;
	v19 =	vsub.f32 $1.500000000e+00, v19;
	v20 =	vadd.f32 v25, v13  }
0x120: {  	vm1 =	vlt.f32 v17, v12;
	v17 =	vmul.f32 v21, v9;
	v15 =	vmul.f32 v15, v11;
	v22 =	vpop (erf)  }
0x121: {  	v19 =	vmul.f32 v23, v19;
	v23 =	vshrl.u32 v20, $0x1;
	v24 =	vmul.f32 $5.000000000e-01, v20;
	v25 =	vld [tilespmem:$0x17ED0]  }
0x122: {  	v17 =	vmul.f32 $1.442695020e+00, v17;
	v26 =	vadd.f32 $-1.103638290e+00, v15;
	v23 =	vsub.s32 $0x5F3759DF, v23  }
0x123: {  	v15 =	vnsel vm1, $0x0, v16;
	v16 =	vmul.f32 v19, v21;
	v19 =	vmul.f32 v23, v24  }
0x124: {  	v15 =	vsel vm0, v22, v15;
	v22 =	vmul.f32 v26, v26;
	(erf) = vpow2.f32 v17  }
0x125: {  	vm0 =	vlt.f32 v18, v12;
	v17 =	vmul.f32 v16, v11;
	v19 =	vmul.f32 v23, v19  }
0x126: {  	vm1 =	vlt.f32 v18, v10;
	v16 =	vnsel vm0, $0x0, v22;
	v22 =	vadd.f32 v25, v13;
	v18 =	vld [tilespmem:$0x17EE0];
	v24 =	vpop (erf)  }
0x127: {  	v16 =	vsel vm1, v24, v16;
	v17 =	vadd.f32 $-1.103638290e+00, v17;
	v19 =	vsub.f32 $1.500000000e+00, v19  }
0x128: {  	v24 =	vmul.f32 v20, v9;
	v25 =	vshrl.u32 v22, $0x1;
	v26 =	vmul.f32 $5.000000000e-01, v22  }
0x129: {  	v17 =	vmul.f32 v17, v17;
	v19 =	vmul.f32 v23, v19;
	v23 =	vsub.s32 $0x5F3759DF, v25  }
0x12a: {  	vm0 =	vlt.f32 v21, v10;
	v24 =	vmul.f32 $1.442695020e+00, v24;
	v25 =	vmul.f32 v23, v26  }
0x12b: {  	vm1 =	vlt.f32 v21, v12;
	v19 =	vmul.f32 v19, v20;
	v21 =	vadd.f32 v18, v13  }
0x12c: {  	v17 =	vnsel vm1, $0x0, v17;
	v18 =	vmul.f32 v23, v25;
	v25 =	vld [tilespmem:$0x17EF0];
	(erf) = vpow2.f32 v24  }
0x12d: {  	v19 =	vmul.f32 v19, v11;
	v24 =	vshrl.u32 v21, $0x1;
	v26 =	vmul.f32 $5.000000000e-01, v21;
	v27 =	vpop (erf)  }
0x12e: {  	v28 =	vmul.f32 v22, v9;
	v18 =	vsub.f32 $1.500000000e+00, v18;
	v24 =	vsub.s32 $0x5F3759DF, v24  }
0x12f: {  	v17 =	vsel vm0, v27, v17;
	v19 =	vadd.f32 $-1.103638290e+00, v19;
	v26 =	vmul.f32 v24, v26  }
0x130: {  	vm0 =	vlt.f32 v20, v10;
	v18 =	vmul.f32 v23, v18;
	v23 =	vmul.f32 $1.442695020e+00, v28  }
0x131: {  	v19 =	vmul.f32 v19, v19;
	v26 =	vmul.f32 v24, v26;
	v25 =	vadd.f32 v25, v13  }
0x132: {  	vm1 =	vlt.f32 v20, v12;
	v18 =	vmul.f32 v18, v22;
	(erf) = vpow2.f32 v23  }
0x133: {  	v20 =	vsub.f32 $1.500000000e+00, v26;
	v23 =	vshrl.u32 v25, $0x1;
	v26 =	vmul.f32 $5.000000000e-01, v25;
	v27 =	vld [tilespmem:$0x17F00]  }
0x134: {  	v29 =	vmul.f32 v21, v9;
	v28 =	vmul.f32 v18, v11;
	v23 =	vsub.s32 $0x5F3759DF, v23  }
0x135: {  	v18 =	vnsel vm1, $0x0, v19;
	v19 =	vmul.f32 v24, v20;
	v20 =	vmul.f32 v23, v26;
	v24 =	vpop (erf)  }
0x136: {  	v26 =	vmul.f32 $1.442695020e+00, v29;
	v18 =	vsel vm0, v24, v18;
	v24 =	vadd.f32 $-1.103638290e+00, v28  }
0x137: {  	vm0 =	vlt.f32 v22, v10;
	v19 =	vmul.f32 v19, v21;
	v20 =	vmul.f32 v23, v20  }
0x138: {  	v24 =	vmul.f32 v24, v24;
	v27 =	vadd.f32 v27, v13;
	v28 =	vld [tilespmem:$0x17F10];
	(erf) = vpow2.f32 v26  }
0x139: {  	vm1 =	vlt.f32 v22, v12;
	v30 =	vmul.f32 v19, v11;
	v20 =	vsub.f32 $1.500000000e+00, v20  }
0x13a: {  	v22 =	vnsel vm1, $0x0, v24;
	v24 =	vshrl.u32 v27, $0x1;
	v26 =	vmul.f32 $5.000000000e-01, v27  }
0x13b: {  	v29 =	vadd.f32 $-1.103638290e+00, v30;
	v20 =	vmul.f32 v23, v20;
	v23 =	vsub.s32 $0x5F3759DF, v24;
	v19 =	vpop (erf)  }
0x13c: {  	v19 =	vsel vm0, v19, v22;
	vm0 =	vlt.f32 v21, v10;
	v22 =	vmul.f32 v23, v26  }
0x13d: {  	v24 =	vmul.f32 v29, v29;
	v20 =	vmul.f32 v20, v25;
	v26 =	vadd.f32 v28, v13  }
0x13e: {  	vm1 =	vlt.f32 v21, v12;
	v21 =	vmul.f32 v25, v9;
	v22 =	vmul.f32 v23, v22;
	v28 =	vld [tilespmem:$0x17F20]  }
0x13f: {  	v32 =	vmul.f32 v20, v11;
	v29 =	vshrl.u32 v26, $0x1;
	v30 =	vmul.f32 $5.000000000e-01, v26  }
0x140: {  	v21 =	vmul.f32 $1.442695020e+00, v21;
	v22 =	vsub.f32 $1.500000000e+00, v22;
	v29 =	vsub.s32 $0x5F3759DF, v29  }
0x141: {  	v24 =	vnsel vm1, $0x0, v24;
	v31 =	vadd.f32 $-1.103638290e+00, v32;
	v30 =	vmul.f32 v29, v30;
	v20 =	vpop (erf)  }
0x142: {  	v20 =	vsel vm0, v20, v24;
	v22 =	vmul.f32 v23, v22;
	(erf) = vpow2.f32 v21  }
0x143: {  	v21 =	vmul.f32 v31, v31;
	v23 =	vmul.f32 v29, v30;
	v24 =	vadd.f32 v28, v13  }
0x144: {  	s21 =	sadd.s32 $0x1, s21;
	vm0 =	vlt.f32 v25, v10;
	v28 =	vmul.f32 v27, v9;
	v22 =	vmul.f32 v22, v27  }
0x145: {  	p0 =	sne.s32 s17, s21;
	v23 =	vsub.f32 $1.500000000e+00, v23;
	v30 =	vshrl.u32 v24, $0x1;
	v31 =	vmul.f32 $5.000000000e-01, v24;
	v32 =	vld [tilespmem:$0x17F30]  }
0x146: {  	v33 =	vmul.f32 v26, v9;
	v22 =	vmul.f32 v22, v11;
	v30 =	vsub.s32 $0x5F3759DF, v30  }
0x147: {  	vm1 =	vlt.f32 v25, v12;
	v23 =	vmul.f32 v29, v23;
	v25 =	vmul.f32 v30, v31  }
0x148: {  	v28 =	vmul.f32 $1.442695020e+00, v28;
	v29 =	vmul.f32 $1.442695020e+00, v33;
	v22 =	vadd.f32 $-1.103638290e+00, v22  }
0x149: {  	v21 =	vnsel vm1, $0x0, v21;
	v23 =	vmul.f32 v23, v26;
	v25 =	vmul.f32 v30, v25  }
0x14a: {  	v22 =	vmul.f32 v22, v22;
	v31 =	vadd.f32 v32, v13;
	(erf) = vpow2.f32 v28  }
0x14b: {  	v23 =	vmul.f32 v23, v11;
	v25 =	vsub.f32 $1.500000000e+00, v25;
	v28 =	vld [tilespmem:$0x17F40];
	v32 =	vpop (erf);
	(erf) = vpow2.f32 v29  }
0x14c: {  	v29 =	vmul.f32 v24, v9;
	v33 =	vshrl.u32 v31, $0x1;
	v34 =	vmul.f32 $5.000000000e-01, v31;
	v35 =	vld [tilespmem:$0x17F50]  }
0x14d: {  	v23 =	vadd.f32 $-1.103638290e+00, v23;
	v25 =	vmul.f32 v30, v25;
	v30 =	vsub.s32 $0x5F3759DF, v33  }
0x14e: {  	v21 =	vsel vm0, v32, v21;
	v29 =	vmul.f32 $1.442695020e+00, v29;
	v32 =	vmul.f32 v30, v34  }
0x14f: {  	vm0 =	vlt.f32 v27, v10;
	v23 =	vmul.f32 v23, v23;
	v25 =	vmul.f32 v25, v24  }
0x150: {  	v32 =	vmul.f32 v30, v32;
	v28 =	vadd.f32 v28, v13;
	(erf) = vpow2.f32 v29  }
0x151: {  	v29 =	vmul.f32 v31, v9;
	v25 =	vmul.f32 v25, v11;
	v33 =	vadd.f32 v35, v13  }
0x152: {  	v13 =	vsub.f32 $1.500000000e+00, v32;
	v32 =	vshrl.u32 v28, $0x1;
	v34 =	vmul.f32 $5.000000000e-01, v28  }
0x153: {  	v32 =	vsub.s32 $0x5F3759DF, v32;
	v38 =	vshrl.u32 v33, $0x1;
	v36 =	vmul.f32 $5.000000000e-01, v33;
	v37 =	vpop (erf)  }
0x154: {  	v13 =	vmul.f32 v30, v13;
	v30 =	vmul.f32 v32, v34;
	v34 =	vsub.s32 $0x5F3759DF, v38;
	v35 =	vpop (erf)  }
0x155: {  	vm1 =	vlt.f32 v27, v12;
	v27 =	vmul.f32 $1.442695020e+00, v29;
	v29 =	vmul.f32 v34, v36  }
0x156: {  	v22 =	vnsel vm1, $0x0, v22;
	v13 =	vmul.f32 v13, v31;
	v30 =	vmul.f32 v32, v30  }
0x157: {  	vm1 =	vlt.f32 v26, v10;
	v39 =	vmul.f32 v28, v9;
	v29 =	vmul.f32 v34, v29  }
0x158: {  	v38 =	vmul.f32 v33, v9;
	v30 =	vsub.f32 $1.500000000e+00, v30;
	(erf) = vpow2.f32 v27  }
0x159: {  	s19 =	sadd.s32 $0x900, s19;
	v13 =	vmul.f32 v13, v11;
	v27 =	vmul.f32 $1.442695020e+00, v39;
	v29 =	vsub.f32 $1.500000000e+00, v29;
	v36 =	vpop (erf)  }
0x15a: {  	vm2 =	vlt.f32 v26, v12;
	v26 =	vmul.f32 $1.442695020e+00, v38;
	[tilespmem:s19+$0xFFFFFD90] =	vst.add.f32.msk $0xffff, v14;
	v14 =	vmul.f32 v32, v30  }
0x15b: {  	[tilespmem:s19+$0xFFFFFDC0] =	vst.add.f32.msk $0xffff, v15;
	v15 =	vnsel vm2, $0x0, v23;
	v23 =	vmul.f32 v34, v29;
	(erf) = vpow2.f32 v27  }
0x15c: {  	[tilespmem:s19+$0xFFFFFDF0] =	vst.add.f32.msk $0xffff, v16;
	v16 =	vadd.f32 $-1.103638290e+00, v25;
	v14 =	vmul.f32 v14, v28;
	(erf) = vpow2.f32 v26  }
0x15d: {  	v15 =	vsel vm1, v35, v15;
	[tilespmem:s19+$0xFFFFFE20] =	vst.add.f32.msk $0xffff, v17;
	v17 =	vsel vm0, v37, v22;
	v22 =	vmul.f32 v23, v33  }
0x15e: {  	v13 =	vadd.f32 $-1.103638290e+00, v13;
	[tilespmem:s19+$0xFFFFFE50] =	vst.add.f32.msk $0xffff, v18;
	v16 =	vmul.f32 v16, v16;
	v14 =	vmul.f32 v14, v11  }
0x15f: {  	s18 =	sadd.s32 $0x900, s18;
	vm1 =	vlt.f32 v24, v12;
	vm0 =	vlt.f32 v24, v10;
	[tilespmem:s19+$0xFFFFFE80] =	vst.add.f32.msk $0xffff, v19;
	v18 =	vmul.f32 v22, v11  }
0x160: {  	s22 =	sand.u32 $0xFFFFFF80, s18;
	v13 =	vmul.f32 v13, v13;
	[tilespmem:s19+$0xFFFFFEB0] =	vst.add.f32.msk $0xffff, v20;
	v16 =	vnsel vm1, $0x0, v16;
	v14 =	vadd.f32 $-1.103638290e+00, v14  }
.Ltmp10:
0x161: {  	s22 =	sor.u32 s20, s22;
	[tilespmem:s19+$0xFFFFFEE0] =	vst.add.f32.msk $0xffff, v21;
	v16 =	vsel vm0, v36, v16;
	vm0 =	vlt.f32 v31, v12;
	v18 =	vadd.f32 $-1.103638290e+00, v18;
	v19 =	vpop (erf);
	(pc) =	sbr.rel @p0 .LBB2_10-.Ltmp10, $4  }
0x162: {  	vm1 =	vlt.f32 v31, v10;
	[tilespmem:s22+$0x10000] =	vst.add.f32.msk $0xffff, v17;
	v13 =	vnsel vm0, $0x0, v13;
	v14 =	vmul.f32 v14, v14  }
0x163: {  	vm0 =	vlt.f32 v28, v12;
	[tilespmem:s19+$0xFFFFFF40] =	vst.add.f32.msk $0xffff, v15;
	v13 =	vsel vm1, v19, v13;
	v17 =	vmul.f32 v18, v18  }
0x164: {  	vm2 =	vlt.f32 v33, v12;
	vm1 =	vlt.f32 v28, v10;
	[tilespmem:s19+$0xFFFFFF70] =	vst.add.f32.msk $0xffff, v16;
	v14 =	vnsel vm0, $0x0, v14;
	v16 =	vpop (erf)  }
0x165: {  	vm0 =	vlt.f32 v33, v10;
	[tilespmem:s19+$0xFFFFFFA0] =	vst.add.f32.msk $0xffff, v13;
	v13 =	vsel vm1, v16, v14;
	v14 =	vnsel vm2, $0x0, v17;
	v15 =	vpop (erf)  }
.Ltmp11:
0x166: {  	_ = 	snop;
	(pc) =	sbr.rel .LBB2_11-.Ltmp11, $1  }
0x167: {  	_ =	sdelay $0x3  }
.LBB2_14:
0x168: {  	_ =	sfence.sel $0x180000  }
0x169: {  	[bflag:$0x0] =	sbarrier.arrive $0xFFFF  }
0x16a: {  	p0 =	sne.s32 s0, $0x0;
	_ =	strace $0x90000047  }
0x16b: {  	s0 =	sadd.s32 @!p0 $0x100000, s2;
	[bflag:$0x2] =	sbarrier.arrive $0xFFFF  }
0x16c: {  	[sflag:s0] =	ssyncadd.tile.s32 @!p0 $0x1;
	_ =	shalt  }
.Lfunc_end2:
_tile_overlayer_lowered:
.L_overlay_start_2:
0x16d: {  	(tag) =	ssettag $0x2  }
0x16e: {  	s0 =	rddreg [dreg:$0x0];
	s2 =	stileid.u32  }
0x16f: {  	s1 =	rddreg [dreg:$0x1];
	p0 =	sne.s32 s2, $0x0  }
0x170: {  	s3 =	rddreg [dreg:$0x2];
	[bflag:$0x3] =	sbarrier.arrive $0xFFFF;
	s2 =	simm.s32 @!p0 $0x1C01  }
0x171: {  	[timem:s3], [sflag:s2] =	dma.local @!p0 [hbm:s0], s1  }
0x172: {  	s0 =	simm.s32 @!p0 $0x1  }
0x173: {  	_ =	swait.ge @!p0 [sflag:s0], s1  }
0x174: {  	s1 =	ssub.s32 @!p0 $0x0, s1;
	[sflag:s0] =	ssyncset.done @!p0 $0x0  }
0x175: {  	[sflag:s0] =	ssyncadd.s32 @!p0 s1  }
0x176: {  	[bflag:$0x3] =	sbarrier.arrive $0xFFFF  }
0x177: {  	_ =	shalt  }

</sc_bundles>
